<compile_context>
chip_gen: v7x
topology: tpu7x:2x2x1
jax: 0.10.2.dev20260603
libtpu: 0.0.44.dev20260713+nightly
codegen_flags: <defaults>
</compile_context>

<pallas_src>
import jax
import jax.numpy as jnp
from jax import lax
from jax.experimental import pallas as pl
from jax.experimental.pallas import tpu as pltpu
from jax.experimental.pallas import tpu_sc as plsc

B = 4096
L = 200
D = 128
N_IDX = B * L

NUM_CORES = 2
NUM_SUBCORES = 16
NW = NUM_CORES * NUM_SUBCORES
ROWS_PER_W = N_IDX // NW

NB = 4
NBS = 2
LOOKAHEAD = 3
CHUNK = 128
N_CHUNKS = ROWS_PER_W // CHUNK
N_STEPS = N_CHUNKS // NB
IDX_ROWS_PER_W = ROWS_PER_W // CHUNK


def _embed_body(x_hbm, table_hbm, out_hbm, idx_v, shared, *scratch):
    rows = scratch[:NB]
    gsem = scratch[NB:2 * NB]
    csem = scratch[2 * NB:2 * NB + NBS]
    osem = scratch[2 * NB + NBS:2 * NB + 2 * NBS]

    cid = lax.axis_index("c")
    sid = lax.axis_index("s")
    wid = sid * NUM_CORES + cid
    out_base = wid * ROWS_PER_W

    pltpu.sync_copy(x_hbm.at[pl.ds(wid * IDX_ROWS_PER_W, IDX_ROWS_PER_W)], idx_v)

    def fire_gather(g, b):
        pltpu.async_copy(table_hbm.at[idx_v.at[g]], rows[b], gsem[b])

    for g in range(LOOKAHEAD):
        fire_gather(g, g % NB)

    def step(i, _):
        for b in range(NB):
            g = i * NB + b
            ba = (b + LOOKAHEAD) % NB
            bs = b % NBS
            bp = (b - 1) % NBS

            @pl.when(g >= 1)
            def _out_prev():
                pltpu.make_async_copy(
                    rows[b], shared.at[sid, bp], csem[bp]
                ).wait()
                pltpu.async_copy(
                    shared.at[sid, bp],
                    out_hbm.at[pl.ds(out_base + (g - 1) * CHUNK, CHUNK)],
                    osem[bp],
                )

            @pl.when(g < N_CHUNKS - LOOKAHEAD)
            def _fire_ahead():
                fire_gather(g + LOOKAHEAD, ba)

            @pl.when(g >= NBS)
            def _wait_out():
                pltpu.make_async_copy(
                    shared.at[sid, bs], out_hbm.at[pl.ds(out_base, CHUNK)], osem[bs]
                ).wait()

            pltpu.make_async_copy(
                table_hbm.at[idx_v.at[g]], rows[b], gsem[b]
            ).wait()
            pltpu.async_copy(rows[b], shared.at[sid, bs], csem[bs])
        return 0

    lax.fori_loop(0, N_STEPS, step, 0)

    last = N_CHUNKS - 1
    bl = last % NBS
    pltpu.make_async_copy(rows[last % NB], shared.at[sid, bl], csem[bl]).wait()
    pltpu.async_copy(
        shared.at[sid, bl], out_hbm.at[pl.ds(out_base + last * CHUNK, CHUNK)], osem[bl]
    )
    for b in range(NBS):
        pltpu.make_async_copy(
            shared.at[sid, b], out_hbm.at[pl.ds(out_base, CHUNK)], osem[b]
        ).wait()


@jax.jit
def _embed(x2d, table):
    mesh = plsc.VectorSubcoreMesh(core_axis_name="c", subcore_axis_name="s")
    return pl.kernel(
        _embed_body,
        mesh=mesh,
        out_type=jax.ShapeDtypeStruct((N_IDX, D), jnp.float32),
        scratch_types=(
            [pltpu.VMEM((IDX_ROWS_PER_W, CHUNK), jnp.int32)]
            + [pltpu.VMEM_SHARED((NUM_SUBCORES, NBS, CHUNK, D), jnp.float32)]
            + [pltpu.VMEM((CHUNK, D), jnp.float32) for _ in range(NB)]
            + [pltpu.SemaphoreType.DMA for _ in range(2 * NB + 2 * NBS)]
        ),
    )(x2d, table)


def kernel(x, table):
    x2d = x.reshape(N_IDX // CHUNK, CHUNK).astype(jnp.int32)
    out = _embed(x2d, table)
    return out.reshape(B, L, D)

# --- scband reference (transcript-rebuilt; emitter-appended) ---
"""Pipeline reference for scband-word-embed-layer-2611340116449 (READ-ONLY COPY).

The authoritative reference and input builder live on the scoring server;
editing this copy changes nothing except your own understanding.
"""

import jax, jax.numpy as jnp
import numpy as np

VOCAB = 100000
EMBED = 128
B = 4096
L = 200

def setup_inputs(seed: int = 0) -> dict:
    key = jax.random.key(seed)
    k_idx, k_w = jax.random.split(key)
    x = jax.random.randint(k_idx, (B, L), 0, VOCAB, dtype=jnp.int64 if jax.config.jax_enable_x64 else jnp.int32)
    table = jax.random.normal(k_w, (VOCAB, EMBED), dtype=jnp.float32)
    return {"x": x, "table": table}

def reference(x, table):
    # nn.Embedding lookup: gather rows of table by index
    out = jnp.take(table, x, axis=0)
    return out

if __name__ == "__main__":
    import jax
    _d = setup_inputs()
    print(jax.jit(kernel)(*tuple(_d.values())))

</pallas_src>

<mosaic_0001>
#map = affine_map<(d0, d1) -> (0, 0)>
module attributes {stable_mosaic.version = 14 : i64} {
  func.func @_embed_body(%arg0: i32, %arg1: i32, %arg2: memref<6400x128xi32, #tpu.memory_space<hbm>>, %arg3: memref<100000x128xf32, #tpu.memory_space<hbm>>, %arg4: memref<819200x128xf32, #tpu.memory_space<hbm>>, %arg5: memref<200x128xi32, #tpu.memory_space<vmem>>, %arg6: memref<16x2x128x128xf32, #tpu.memory_space<vmem_shared>>, %arg7: memref<128x128xf32, #tpu.memory_space<vmem>>, %arg8: memref<128x128xf32, #tpu.memory_space<vmem>>, %arg9: memref<128x128xf32, #tpu.memory_space<vmem>>, %arg10: memref<128x128xf32, #tpu.memory_space<vmem>>, %arg11: memref<!tpu.dma_semaphore, #tpu.memory_space<semaphore_mem>>, %arg12: memref<!tpu.dma_semaphore, #tpu.memory_space<semaphore_mem>>, %arg13: memref<!tpu.dma_semaphore, #tpu.memory_space<semaphore_mem>>, %arg14: memref<!tpu.dma_semaphore, #tpu.memory_space<semaphore_mem>>, %arg15: memref<!tpu.dma_semaphore, #tpu.memory_space<semaphore_mem>>, %arg16: memref<!tpu.dma_semaphore, #tpu.memory_space<semaphore_mem>>, %arg17: memref<!tpu.dma_semaphore, #tpu.memory_space<semaphore_mem>>, %arg18: memref<!tpu.dma_semaphore, #tpu.memory_space<semaphore_mem>>, %arg19: memref<!tpu.dma_semaphore, #tpu.memory_space<semaphore_mem>>, %arg20: memref<!tpu.dma_semaphore, #tpu.memory_space<semaphore_mem>>, %arg21: memref<!tpu.dma_semaphore, #tpu.memory_space<semaphore_mem>>, %arg22: memref<!tpu.dma_semaphore, #tpu.memory_space<semaphore_mem>>) attributes {dimension_semantics = [#tpu.dimension_semantics<core_parallel>, #tpu.dimension_semantics<subcore_parallel>], iteration_bounds = array<i64: 2, 16>, scalar_prefetch = 0 : i64, scratch_operands = 18 : i64, tpu.core_type = #tpu.core_type<sc_vector_subcore>, window_params = [{transform_indices = #map}, {transform_indices = #map}, {transform_indices = #map}]} {
    %mul3A = arith.constant 2 : i32
    %mul3A_0 = arith.muli %arg1, %mul3A : i32
    %add3A = arith.addi %mul3A_0, %arg0 : i32
    %mul3A_1 = arith.constant 25600 : i32
    %mul3A_2 = arith.muli %add3A, %mul3A_1 : i32
    %mul3A_3 = arith.constant 200 : i32
    %mul3A_4 = arith.muli %add3A, %mul3A_3 : i32
    "tpu.region"() ({
      %run_scoped3A = tpu.sem_alloc : memref<!tpu.dma_semaphore, #tpu.memory_space<semaphore_mem>>
      %dma_start3A_62 = arith.constant 0 : i32
      %dma_start3A_63 = tpu.memref_slice %arg2[%mul3A_4, %dma_start3A_62] : memref<6400x128xi32, #tpu.memory_space<hbm>> -> memref<200x128xi32, #tpu.memory_space<hbm>>
      %dma_start3A_64 = arith.constant 0 : i32
      %dma_start3A_65 = tpu.memref_slice %arg2[%mul3A_4, %dma_start3A_64] : memref<6400x128xi32, #tpu.memory_space<hbm>> -> memref<200x128xi32, #tpu.memory_space<hbm>>
      tpu.enqueue_dma source(%dma_start3A_65 : memref<200x128xi32, #tpu.memory_space<hbm>>) target(%arg5 : memref<200x128xi32, #tpu.memory_space<vmem>>) target_semaphore(%run_scoped3A : memref<!tpu.dma_semaphore, #tpu.memory_space<semaphore_mem>>)
      %dma_wait3A_66 = arith.constant 0 : i32
      %dma_wait3A_67 = tpu.memref_slice %arg2[%mul3A_4, %dma_wait3A_66] : memref<6400x128xi32, #tpu.memory_space<hbm>> -> memref<200x128xi32, #tpu.memory_space<hbm>>
      %dma_wait3A_68 = arith.constant 0 : i32
      %dma_wait3A_69 = tpu.memref_slice %arg2[%mul3A_4, %dma_wait3A_68] : memref<6400x128xi32, #tpu.memory_space<hbm>> -> memref<200x128xi32, #tpu.memory_space<hbm>>
      tpu.wait_dma2 semaphore(%run_scoped3A : memref<!tpu.dma_semaphore, #tpu.memory_space<semaphore_mem>>) src(%dma_wait3A_69 : memref<200x128xi32, #tpu.memory_space<hbm>>) dst(%arg5 : memref<200x128xi32, #tpu.memory_space<vmem>>)
      tpu.yield
    }) : () -> ()
    %dma_start3A = arith.constant 0 : i32
    %dma_start3A_5 = arith.constant 0 : i32
    %dma_start3A_6 = tpu.memref_slice %arg5[%dma_start3A, %dma_start3A_5] : memref<200x128xi32, #tpu.memory_space<vmem>> -> memref<1x128xi32, #tpu.memory_space<vmem>>
    %dma_start3A_7 = tpu.memref_squeeze %dma_start3A_6 : memref<1x128xi32, #tpu.memory_space<vmem>> -> memref<128xi32, #tpu.memory_space<vmem>>
    %dma_start3A_8 = arith.constant 0 : i32
    %dma_start3A_9 = arith.constant 0 : i32
    %dma_start3A_10 = tpu.memref_slice %arg3[%dma_start3A_8, %dma_start3A_9] : memref<100000x128xf32, #tpu.memory_space<hbm>> -> memref<100000x128xf32, #tpu.memory_space<hbm>>
    tpu.enqueue_indirect_dma source(%dma_start3A_10 : memref<100000x128xf32, #tpu.memory_space<hbm>>) target(%arg7 : memref<128x128xf32, #tpu.memory_space<vmem>>) offsets(%dma_start3A_7 : memref<128xi32, #tpu.memory_space<vmem>>) semaphore(%arg11 : memref<!tpu.dma_semaphore, #tpu.memory_space<semaphore_mem>>)
    %dma_start3A_11 = arith.constant 1 : i32
    %dma_start3A_12 = arith.constant 0 : i32
    %dma_start3A_13 = tpu.memref_slice %arg5[%dma_start3A_11, %dma_start3A_12] : memref<200x128xi32, #tpu.memory_space<vmem>> -> memref<1x128xi32, #tpu.memory_space<vmem>>
    %dma_start3A_14 = tpu.memref_squeeze %dma_start3A_13 : memref<1x128xi32, #tpu.memory_space<vmem>> -> memref<128xi32, #tpu.memory_space<vmem>>
    %dma_start3A_15 = arith.constant 0 : i32
    %dma_start3A_16 = arith.constant 0 : i32
    %dma_start3A_17 = tpu.memref_slice %arg3[%dma_start3A_15, %dma_start3A_16] : memref<100000x128xf32, #tpu.memory_space<hbm>> -> memref<100000x128xf32, #tpu.memory_space<hbm>>
    tpu.enqueue_indirect_dma source(%dma_start3A_17 : memref<100000x128xf32, #tpu.memory_space<hbm>>) target(%arg8 : memref<128x128xf32, #tpu.memory_space<vmem>>) offsets(%dma_start3A_14 : memref<128xi32, #tpu.memory_space<vmem>>) semaphore(%arg12 : memref<!tpu.dma_semaphore, #tpu.memory_space<semaphore_mem>>)
    %dma_start3A_18 = arith.constant 2 : i32
    %dma_start3A_19 = arith.constant 0 : i32
    %dma_start3A_20 = tpu.memref_slice %arg5[%dma_start3A_18, %dma_start3A_19] : memref<200x128xi32, #tpu.memory_space<vmem>> -> memref<1x128xi32, #tpu.memory_space<vmem>>
    %dma_start3A_21 = tpu.memref_squeeze %dma_start3A_20 : memref<1x128xi32, #tpu.memory_space<vmem>> -> memref<128xi32, #tpu.memory_space<vmem>>
    %dma_start3A_22 = arith.constant 0 : i32
    %dma_start3A_23 = arith.constant 0 : i32
    %dma_start3A_24 = tpu.memref_slice %arg3[%dma_start3A_22, %dma_start3A_23] : memref<100000x128xf32, #tpu.memory_space<hbm>> -> memref<100000x128xf32, #tpu.memory_space<hbm>>
    tpu.enqueue_indirect_dma source(%dma_start3A_24 : memref<100000x128xf32, #tpu.memory_space<hbm>>) target(%arg9 : memref<128x128xf32, #tpu.memory_space<vmem>>) offsets(%dma_start3A_21 : memref<128xi32, #tpu.memory_space<vmem>>) semaphore(%arg13 : memref<!tpu.dma_semaphore, #tpu.memory_space<semaphore_mem>>)
    %scan3A = arith.constant 0 : i32
    %scan3A_25 = arith.constant 0 : i32
    %scan3A_26 = arith.constant 50 : i32
    %scan3A_27 = arith.addi %scan3A_25, %scan3A_26 : i32
    %scan3A_28 = arith.constant 1 : i32
    %scan3A_29 = scf.for %scan3A_62 = %scan3A_25 to %scan3A_27 step %scan3A_28 iter_args(%scan3A_63 = %scan3A) -> (i32)  : i32 {
      %mul3A_64 = arith.constant 4 : i32
      %mul3A_65 = arith.muli %scan3A_62, %mul3A_64 : i32
      %add3A_66 = arith.constant 0 : i32
      %add3A_67 = arith.addi %mul3A_65, %add3A_66 : i32
      %ge3A = arith.constant 1 : i32
      %ge3A_68 = arith.cmpi sge, %add3A_67, %ge3A : i32
      %convert_element_type3A = arith.extui %ge3A_68 : i1 to i32
      %cond3A = arith.constant 0 : i32
      %cond3A_69 = arith.cmpi ne, %convert_element_type3A, %cond3A : i32
      scf.if %cond3A_69 {
        %dma_wait3A_197 = arith.constant 1 : i32
        %dma_wait3A_198 = arith.constant 0 : i32
        %dma_wait3A_199 = arith.constant 0 : i32
        %dma_wait3A_200 = tpu.memref_slice %arg6[%arg1, %dma_wait3A_197, %dma_wait3A_198, %dma_wait3A_199] : memref<16x2x128x128xf32, #tpu.memory_space<vmem_shared>> -> memref<1x1x128x128xf32, #tpu.memory_space<vmem_shared>>
        %dma_wait3A_201 = tpu.memref_squeeze %dma_wait3A_200 : memref<1x1x128x128xf32, #tpu.memory_space<vmem_shared>> -> memref<128x128xf32, #tpu.memory_space<vmem_shared>>
        %dma_wait3A_202 = arith.constant 0 : i32
        %dma_wait3A_203 = arith.constant 0 : i32
        %dma_wait3A_204 = tpu.memref_slice %arg6[%arg1, %dma_wait3A_197, %dma_wait3A_202, %dma_wait3A_203] : memref<16x2x128x128xf32, #tpu.memory_space<vmem_shared>> -> memref<1x1x128x128xf32, #tpu.memory_space<vmem_shared>>
        %dma_wait3A_205 = tpu.memref_squeeze %dma_wait3A_204 : memref<1x1x128x128xf32, #tpu.memory_space<vmem_shared>> -> memref<128x128xf32, #tpu.memory_space<vmem_shared>>
        tpu.wait_dma2 semaphore(%arg16 : memref<!tpu.dma_semaphore, #tpu.memory_space<semaphore_mem>>) src(%arg7 : memref<128x128xf32, #tpu.memory_space<vmem>>) dst(%dma_wait3A_205 : memref<128x128xf32, #tpu.memory_space<vmem_shared>>)
        %sub3A = arith.constant 1 : i32
        %sub3A_206 = arith.subi %add3A_67, %sub3A : i32
        %mul3A_207 = arith.constant 128 : i32
        %mul3A_208 = arith.muli %sub3A_206, %mul3A_207 : i32
        %add3A_209 = arith.addi %mul3A_2, %mul3A_208 : i32
        %dma_start3A_210 = arith.constant 1 : i32
        %dma_start3A_211 = arith.constant 0 : i32
        %dma_start3A_212 = tpu.memref_slice %arg4[%add3A_209, %dma_start3A_211] : memref<819200x128xf32, #tpu.memory_space<hbm>> -> memref<128x128xf32, #tpu.memory_space<hbm>>
        %dma_start3A_213 = arith.constant 0 : i32
        %dma_start3A_214 = arith.constant 0 : i32
        %dma_start3A_215 = tpu.memref_slice %arg6[%arg1, %dma_start3A_210, %dma_start3A_213, %dma_start3A_214] : memref<16x2x128x128xf32, #tpu.memory_space<vmem_shared>> -> memref<1x1x128x128xf32, #tpu.memory_space<vmem_shared>>
        %dma_start3A_216 = tpu.memref_squeeze %dma_start3A_215 : memref<1x1x128x128xf32, #tpu.memory_space<vmem_shared>> -> memref<128x128xf32, #tpu.memory_space<vmem_shared>>
        tpu.enqueue_dma source(%dma_start3A_216 : memref<128x128xf32, #tpu.memory_space<vmem_shared>>) target(%dma_start3A_212 : memref<128x128xf32, #tpu.memory_space<hbm>>) target_semaphore(%arg18 : memref<!tpu.dma_semaphore, #tpu.memory_space<semaphore_mem>>)
      } else {
      }
      %lt3A = arith.constant 197 : i32
      %lt3A_70 = arith.cmpi slt, %add3A_67, %lt3A : i32
      %convert_element_type3A_71 = arith.extui %lt3A_70 : i1 to i32
      %cond3A_72 = arith.constant 0 : i32
      %cond3A_73 = arith.cmpi ne, %convert_element_type3A_71, %cond3A_72 : i32
      scf.if %cond3A_73 {
        %add3A_197 = arith.constant 3 : i32
        %add3A_198 = arith.addi %add3A_67, %add3A_197 : i32
        %dma_start3A_199 = arith.constant 0 : i32
        %dma_start3A_200 = tpu.memref_slice %arg5[%add3A_198, %dma_start3A_199] : memref<200x128xi32, #tpu.memory_space<vmem>> -> memref<1x128xi32, #tpu.memory_space<vmem>>
        %dma_start3A_201 = tpu.memref_squeeze %dma_start3A_200 : memref<1x128xi32, #tpu.memory_space<vmem>> -> memref<128xi32, #tpu.memory_space<vmem>>
        %dma_start3A_202 = arith.constant 0 : i32
        %dma_start3A_203 = arith.constant 0 : i32
        %dma_start3A_204 = tpu.memref_slice %arg3[%dma_start3A_202, %dma_start3A_203] : memref<100000x128xf32, #tpu.memory_space<hbm>> -> memref<100000x128xf32, #tpu.memory_space<hbm>>
        tpu.enqueue_indirect_dma source(%dma_start3A_204 : memref<100000x128xf32, #tpu.memory_space<hbm>>) target(%arg10 : memref<128x128xf32, #tpu.memory_space<vmem>>) offsets(%dma_start3A_201 : memref<128xi32, #tpu.memory_space<vmem>>) semaphore(%arg14 : memref<!tpu.dma_semaphore, #tpu.memory_space<semaphore_mem>>)
      } else {
      }
      %ge3A_74 = arith.constant 2 : i32
      %ge3A_75 = arith.cmpi sge, %add3A_67, %ge3A_74 : i32
      %convert_element_type3A_76 = arith.extui %ge3A_75 : i1 to i32
      %cond3A_77 = arith.constant 0 : i32
      %cond3A_78 = arith.cmpi ne, %convert_element_type3A_76, %cond3A_77 : i32
      scf.if %cond3A_78 {
        %dma_wait3A_197 = arith.constant 0 : i32
        %dma_wait3A_198 = arith.constant 0 : i32
        %dma_wait3A_199 = tpu.memref_slice %arg4[%mul3A_2, %dma_wait3A_198] : memref<819200x128xf32, #tpu.memory_space<hbm>> -> memref<128x128xf32, #tpu.memory_space<hbm>>
        %dma_wait3A_200 = arith.constant 0 : i32
        %dma_wait3A_201 = arith.constant 0 : i32
        %dma_wait3A_202 = tpu.memref_slice %arg6[%arg1, %dma_wait3A_197, %dma_wait3A_200, %dma_wait3A_201] : memref<16x2x128x128xf32, #tpu.memory_space<vmem_shared>> -> memref<1x1x128x128xf32, #tpu.memory_space<vmem_shared>>
        %dma_wait3A_203 = tpu.memref_squeeze %dma_wait3A_202 : memref<1x1x128x128xf32, #tpu.memory_space<vmem_shared>> -> memref<128x128xf32, #tpu.memory_space<vmem_shared>>
        tpu.wait_dma2 semaphore(%arg17 : memref<!tpu.dma_semaphore, #tpu.memory_space<semaphore_mem>>) src(%dma_wait3A_203 : memref<128x128xf32, #tpu.memory_space<vmem_shared>>) dst(%dma_wait3A_199 : memref<128x128xf32, #tpu.memory_space<hbm>>)
      } else {
      }
      %dma_wait3A_79 = arith.constant 0 : i32
      %dma_wait3A_80 = tpu.memref_slice %arg5[%add3A_67, %dma_wait3A_79] : memref<200x128xi32, #tpu.memory_space<vmem>> -> memref<1x128xi32, #tpu.memory_space<vmem>>
      %dma_wait3A_81 = tpu.memref_squeeze %dma_wait3A_80 : memref<1x128xi32, #tpu.memory_space<vmem>> -> memref<128xi32, #tpu.memory_space<vmem>>
      %dma_wait3A_82 = arith.constant 0 : i32
      %dma_wait3A_83 = arith.constant 0 : i32
      %dma_wait3A_84 = tpu.memref_slice %arg3[%dma_wait3A_82, %dma_wait3A_83] : memref<100000x128xf32, #tpu.memory_space<hbm>> -> memref<100000x128xf32, #tpu.memory_space<hbm>>
      tpu.wait_indirect_dma semaphore(%arg11 : memref<!tpu.dma_semaphore, #tpu.memory_space<semaphore_mem>>) src(%dma_wait3A_84 : memref<100000x128xf32, #tpu.memory_space<hbm>>) dst(%arg7 : memref<128x128xf32, #tpu.memory_space<vmem>>)
      %dma_start3A_85 = arith.constant 0 : i32
      %dma_start3A_86 = arith.constant 0 : i32
      %dma_start3A_87 = arith.constant 0 : i32
      %dma_start3A_88 = tpu.memref_slice %arg6[%arg1, %dma_start3A_85, %dma_start3A_86, %dma_start3A_87] : memref<16x2x128x128xf32, #tpu.memory_space<vmem_shared>> -> memref<1x1x128x128xf32, #tpu.memory_space<vmem_shared>>
      %dma_start3A_89 = tpu.memref_squeeze %dma_start3A_88 : memref<1x1x128x128xf32, #tpu.memory_space<vmem_shared>> -> memref<128x128xf32, #tpu.memory_space<vmem_shared>>
      %dma_start3A_90 = arith.constant 0 : i32
      %dma_start3A_91 = arith.constant 0 : i32
      %dma_start3A_92 = tpu.memref_slice %arg6[%arg1, %dma_start3A_85, %dma_start3A_90, %dma_start3A_91] : memref<16x2x128x128xf32, #tpu.memory_space<vmem_shared>> -> memref<1x1x128x128xf32, #tpu.memory_space<vmem_shared>>
      %dma_start3A_93 = tpu.memref_squeeze %dma_start3A_92 : memref<1x1x128x128xf32, #tpu.memory_space<vmem_shared>> -> memref<128x128xf32, #tpu.memory_space<vmem_shared>>
      tpu.enqueue_dma source(%arg7 : memref<128x128xf32, #tpu.memory_space<vmem>>) target(%dma_start3A_93 : memref<128x128xf32, #tpu.memory_space<vmem_shared>>) target_semaphore(%arg15 : memref<!tpu.dma_semaphore, #tpu.memory_space<semaphore_mem>>)
      %mul3A_94 = arith.constant 4 : i32
      %mul3A_95 = arith.muli %scan3A_62, %mul3A_94 : i32
      %add3A_96 = arith.constant 1 : i32
      %add3A_97 = arith.addi %mul3A_95, %add3A_96 : i32
      %ge3A_98 = arith.constant 1 : i32
      %ge3A_99 = arith.cmpi sge, %add3A_97, %ge3A_98 : i32
      %convert_element_type3A_100 = arith.extui %ge3A_99 : i1 to i32
      %cond3A_101 = arith.constant 0 : i32
      %cond3A_102 = arith.cmpi ne, %convert_element_type3A_100, %cond3A_101 : i32
      scf.if %cond3A_102 {
        %dma_wait3A_197 = arith.constant 0 : i32
        %dma_wait3A_198 = arith.constant 0 : i32
        %dma_wait3A_199 = arith.constant 0 : i32
        %dma_wait3A_200 = tpu.memref_slice %arg6[%arg1, %dma_wait3A_197, %dma_wait3A_198, %dma_wait3A_199] : memref<16x2x128x128xf32, #tpu.memory_space<vmem_shared>> -> memref<1x1x128x128xf32, #tpu.memory_space<vmem_shared>>
        %dma_wait3A_201 = tpu.memref_squeeze %dma_wait3A_200 : memref<1x1x128x128xf32, #tpu.memory_space<vmem_shared>> -> memref<128x128xf32, #tpu.memory_space<vmem_shared>>
        %dma_wait3A_202 = arith.constant 0 : i32
        %dma_wait3A_203 = arith.constant 0 : i32
        %dma_wait3A_204 = tpu.memref_slice %arg6[%arg1, %dma_wait3A_197, %dma_wait3A_202, %dma_wait3A_203] : memref<16x2x128x128xf32, #tpu.memory_space<vmem_shared>> -> memref<1x1x128x128xf32, #tpu.memory_space<vmem_shared>>
        %dma_wait3A_205 = tpu.memref_squeeze %dma_wait3A_204 : memref<1x1x128x128xf32, #tpu.memory_space<vmem_shared>> -> memref<128x128xf32, #tpu.memory_space<vmem_shared>>
        tpu.wait_dma2 semaphore(%arg15 : memref<!tpu.dma_semaphore, #tpu.memory_space<semaphore_mem>>) src(%arg8 : memref<128x128xf32, #tpu.memory_space<vmem>>) dst(%dma_wait3A_205 : memref<128x128xf32, #tpu.memory_space<vmem_shared>>)
        %sub3A = arith.constant 1 : i32
        %sub3A_206 = arith.subi %add3A_97, %sub3A : i32
        %mul3A_207 = arith.constant 128 : i32
        %mul3A_208 = arith.muli %sub3A_206, %mul3A_207 : i32
        %add3A_209 = arith.addi %mul3A_2, %mul3A_208 : i32
        %dma_start3A_210 = arith.constant 0 : i32
        %dma_start3A_211 = arith.constant 0 : i32
        %dma_start3A_212 = tpu.memref_slice %arg4[%add3A_209, %dma_start3A_211] : memref<819200x128xf32, #tpu.memory_space<hbm>> -> memref<128x128xf32, #tpu.memory_space<hbm>>
        %dma_start3A_213 = arith.constant 0 : i32
        %dma_start3A_214 = arith.constant 0 : i32
        %dma_start3A_215 = tpu.memref_slice %arg6[%arg1, %dma_start3A_210, %dma_start3A_213, %dma_start3A_214] : memref<16x2x128x128xf32, #tpu.memory_space<vmem_shared>> -> memref<1x1x128x128xf32, #tpu.memory_space<vmem_shared>>
        %dma_start3A_216 = tpu.memref_squeeze %dma_start3A_215 : memref<1x1x128x128xf32, #tpu.memory_space<vmem_shared>> -> memref<128x128xf32, #tpu.memory_space<vmem_shared>>
        tpu.enqueue_dma source(%dma_start3A_216 : memref<128x128xf32, #tpu.memory_space<vmem_shared>>) target(%dma_start3A_212 : memref<128x128xf32, #tpu.memory_space<hbm>>) target_semaphore(%arg17 : memref<!tpu.dma_semaphore, #tpu.memory_space<semaphore_mem>>)
      } else {
      }
      %lt3A_103 = arith.constant 197 : i32
      %lt3A_104 = arith.cmpi slt, %add3A_97, %lt3A_103 : i32
      %convert_element_type3A_105 = arith.extui %lt3A_104 : i1 to i32
      %cond3A_106 = arith.constant 0 : i32
      %cond3A_107 = arith.cmpi ne, %convert_element_type3A_105, %cond3A_106 : i32
      scf.if %cond3A_107 {
        %add3A_197 = arith.constant 3 : i32
        %add3A_198 = arith.addi %add3A_97, %add3A_197 : i32
        %dma_start3A_199 = arith.constant 0 : i32
        %dma_start3A_200 = tpu.memref_slice %arg5[%add3A_198, %dma_start3A_199] : memref<200x128xi32, #tpu.memory_space<vmem>> -> memref<1x128xi32, #tpu.memory_space<vmem>>
        %dma_start3A_201 = tpu.memref_squeeze %dma_start3A_200 : memref<1x128xi32, #tpu.memory_space<vmem>> -> memref<128xi32, #tpu.memory_space<vmem>>
        %dma_start3A_202 = arith.constant 0 : i32
        %dma_start3A_203 = arith.constant 0 : i32
        %dma_start3A_204 = tpu.memref_slice %arg3[%dma_start3A_202, %dma_start3A_203] : memref<100000x128xf32, #tpu.memory_space<hbm>> -> memref<100000x128xf32, #tpu.memory_space<hbm>>
        tpu.enqueue_indirect_dma source(%dma_start3A_204 : memref<100000x128xf32, #tpu.memory_space<hbm>>) target(%arg7 : memref<128x128xf32, #tpu.memory_space<vmem>>) offsets(%dma_start3A_201 : memref<128xi32, #tpu.memory_space<vmem>>) semaphore(%arg11 : memref<!tpu.dma_semaphore, #tpu.memory_space<semaphore_mem>>)
      } else {
      }
      %ge3A_108 = arith.constant 2 : i32
      %ge3A_109 = arith.cmpi sge, %add3A_97, %ge3A_108 : i32
      %convert_element_type3A_110 = arith.extui %ge3A_109 : i1 to i32
      %cond3A_111 = arith.constant 0 : i32
      %cond3A_112 = arith.cmpi ne, %convert_element_type3A_110, %cond3A_111 : i32
      scf.if %cond3A_112 {
        %dma_wait3A_197 = arith.constant 1 : i32
        %dma_wait3A_198 = arith.constant 0 : i32
        %dma_wait3A_199 = tpu.memref_slice %arg4[%mul3A_2, %dma_wait3A_198] : memref<819200x128xf32, #tpu.memory_space<hbm>> -> memref<128x128xf32, #tpu.memory_space<hbm>>
        %dma_wait3A_200 = arith.constant 0 : i32
        %dma_wait3A_201 = arith.constant 0 : i32
        %dma_wait3A_202 = tpu.memref_slice %arg6[%arg1, %dma_wait3A_197, %dma_wait3A_200, %dma_wait3A_201] : memref<16x2x128x128xf32, #tpu.memory_space<vmem_shared>> -> memref<1x1x128x128xf32, #tpu.memory_space<vmem_shared>>
        %dma_wait3A_203 = tpu.memref_squeeze %dma_wait3A_202 : memref<1x1x128x128xf32, #tpu.memory_space<vmem_shared>> -> memref<128x128xf32, #tpu.memory_space<vmem_shared>>
        tpu.wait_dma2 semaphore(%arg18 : memref<!tpu.dma_semaphore, #tpu.memory_space<semaphore_mem>>) src(%dma_wait3A_203 : memref<128x128xf32, #tpu.memory_space<vmem_shared>>) dst(%dma_wait3A_199 : memref<128x128xf32, #tpu.memory_space<hbm>>)
      } else {
      }
      %dma_wait3A_113 = arith.constant 0 : i32
      %dma_wait3A_114 = tpu.memref_slice %arg5[%add3A_97, %dma_wait3A_113] : memref<200x128xi32, #tpu.memory_space<vmem>> -> memref<1x128xi32, #tpu.memory_space<vmem>>
      %dma_wait3A_115 = tpu.memref_squeeze %dma_wait3A_114 : memref<1x128xi32, #tpu.memory_space<vmem>> -> memref<128xi32, #tpu.memory_space<vmem>>
      %dma_wait3A_116 = arith.constant 0 : i32
      %dma_wait3A_117 = arith.constant 0 : i32
      %dma_wait3A_118 = tpu.memref_slice %arg3[%dma_wait3A_116, %dma_wait3A_117] : memref<100000x128xf32, #tpu.memory_space<hbm>> -> memref<100000x128xf32, #tpu.memory_space<hbm>>
      tpu.wait_indirect_dma semaphore(%arg12 : memref<!tpu.dma_semaphore, #tpu.memory_space<semaphore_mem>>) src(%dma_wait3A_118 : memref<100000x128xf32, #tpu.memory_space<hbm>>) dst(%arg8 : memref<128x128xf32, #tpu.memory_space<vmem>>)
      %dma_start3A_119 = arith.constant 1 : i32
      %dma_start3A_120 = arith.constant 0 : i32
      %dma_start3A_121 = arith.constant 0 : i32
      %dma_start3A_122 = tpu.memref_slice %arg6[%arg1, %dma_start3A_119, %dma_start3A_120, %dma_start3A_121] : memref<16x2x128x128xf32, #tpu.memory_space<vmem_shared>> -> memref<1x1x128x128xf32, #tpu.memory_space<vmem_shared>>
      %dma_start3A_123 = tpu.memref_squeeze %dma_start3A_122 : memref<1x1x128x128xf32, #tpu.memory_space<vmem_shared>> -> memref<128x128xf32, #tpu.memory_space<vmem_shared>>
      %dma_start3A_124 = arith.constant 0 : i32
      %dma_start3A_125 = arith.constant 0 : i32
      %dma_start3A_126 = tpu.memref_slice %arg6[%arg1, %dma_start3A_119, %dma_start3A_124, %dma_start3A_125] : memref<16x2x128x128xf32, #tpu.memory_space<vmem_shared>> -> memref<1x1x128x128xf32, #tpu.memory_space<vmem_shared>>
      %dma_start3A_127 = tpu.memref_squeeze %dma_start3A_126 : memref<1x1x128x128xf32, #tpu.memory_space<vmem_shared>> -> memref<128x128xf32, #tpu.memory_space<vmem_shared>>
      tpu.enqueue_dma source(%arg8 : memref<128x128xf32, #tpu.memory_space<vmem>>) target(%dma_start3A_127 : memref<128x128xf32, #tpu.memory_space<vmem_shared>>) target_semaphore(%arg16 : memref<!tpu.dma_semaphore, #tpu.memory_space<semaphore_mem>>)
      %mul3A_128 = arith.constant 4 : i32
      %mul3A_129 = arith.muli %scan3A_62, %mul3A_128 : i32
      %add3A_130 = arith.constant 2 : i32
      %add3A_131 = arith.addi %mul3A_129, %add3A_130 : i32
      %ge3A_132 = arith.constant 1 : i32
      %ge3A_133 = arith.cmpi sge, %add3A_131, %ge3A_132 : i32
      %convert_element_type3A_134 = arith.extui %ge3A_133 : i1 to i32
      %cond3A_135 = arith.constant 0 : i32
      %cond3A_136 = arith.cmpi ne, %convert_element_type3A_134, %cond3A_135 : i32
      scf.if %cond3A_136 {
        %dma_wait3A_197 = arith.constant 1 : i32
        %dma_wait3A_198 = arith.constant 0 : i32
        %dma_wait3A_199 = arith.constant 0 : i32
        %dma_wait3A_200 = tpu.memref_slice %arg6[%arg1, %dma_wait3A_197, %dma_wait3A_198, %dma_wait3A_199] : memref<16x2x128x128xf32, #tpu.memory_space<vmem_shared>> -> memref<1x1x128x128xf32, #tpu.memory_space<vmem_shared>>
        %dma_wait3A_201 = tpu.memref_squeeze %dma_wait3A_200 : memref<1x1x128x128xf32, #tpu.memory_space<vmem_shared>> -> memref<128x128xf32, #tpu.memory_space<vmem_shared>>
        %dma_wait3A_202 = arith.constant 0 : i32
        %dma_wait3A_203 = arith.constant 0 : i32
        %dma_wait3A_204 = tpu.memref_slice %arg6[%arg1, %dma_wait3A_197, %dma_wait3A_202, %dma_wait3A_203] : memref<16x2x128x128xf32, #tpu.memory_space<vmem_shared>> -> memref<1x1x128x128xf32, #tpu.memory_space<vmem_shared>>
        %dma_wait3A_205 = tpu.memref_squeeze %dma_wait3A_204 : memref<1x1x128x128xf32, #tpu.memory_space<vmem_shared>> -> memref<128x128xf32, #tpu.memory_space<vmem_shared>>
        tpu.wait_dma2 semaphore(%arg16 : memref<!tpu.dma_semaphore, #tpu.memory_space<semaphore_mem>>) src(%arg9 : memref<128x128xf32, #tpu.memory_space<vmem>>) dst(%dma_wait3A_205 : memref<128x128xf32, #tpu.memory_space<vmem_shared>>)
        %sub3A = arith.constant 1 : i32
        %sub3A_206 = arith.subi %add3A_131, %sub3A : i32
        %mul3A_207 = arith.constant 128 : i32
        %mul3A_208 = arith.muli %sub3A_206, %mul3A_207 : i32
        %add3A_209 = arith.addi %mul3A_2, %mul3A_208 : i32
        %dma_start3A_210 = arith.constant 1 : i32
        %dma_start3A_211 = arith.constant 0 : i32
        %dma_start3A_212 = tpu.memref_slice %arg4[%add3A_209, %dma_start3A_211] : memref<819200x128xf32, #tpu.memory_space<hbm>> -> memref<128x128xf32, #tpu.memory_space<hbm>>
        %dma_start3A_213 = arith.constant 0 : i32
        %dma_start3A_214 = arith.constant 0 : i32
        %dma_start3A_215 = tpu.memref_slice %arg6[%arg1, %dma_start3A_210, %dma_start3A_213, %dma_start3A_214] : memref<16x2x128x128xf32, #tpu.memory_space<vmem_shared>> -> memref<1x1x128x128xf32, #tpu.memory_space<vmem_shared>>
        %dma_start3A_216 = tpu.memref_squeeze %dma_start3A_215 : memref<1x1x128x128xf32, #tpu.memory_space<vmem_shared>> -> memref<128x128xf32, #tpu.memory_space<vmem_shared>>
        tpu.enqueue_dma source(%dma_start3A_216 : memref<128x128xf32, #tpu.memory_space<vmem_shared>>) target(%dma_start3A_212 : memref<128x128xf32, #tpu.memory_space<hbm>>) target_semaphore(%arg18 : memref<!tpu.dma_semaphore, #tpu.memory_space<semaphore_mem>>)
      } else {
      }
      %lt3A_137 = arith.constant 197 : i32
      %lt3A_138 = arith.cmpi slt, %add3A_131, %lt3A_137 : i32
      %convert_element_type3A_139 = arith.extui %lt3A_138 : i1 to i32
      %cond3A_140 = arith.constant 0 : i32
      %cond3A_141 = arith.cmpi ne, %convert_element_type3A_139, %cond3A_140 : i32
      scf.if %cond3A_141 {
        %add3A_197 = arith.constant 3 : i32
        %add3A_198 = arith.addi %add3A_131, %add3A_197 : i32
        %dma_start3A_199 = arith.constant 0 : i32
        %dma_start3A_200 = tpu.memref_slice %arg5[%add3A_198, %dma_start3A_199] : memref<200x128xi32, #tpu.memory_space<vmem>> -> memref<1x128xi32, #tpu.memory_space<vmem>>
        %dma_start3A_201 = tpu.memref_squeeze %dma_start3A_200 : memref<1x128xi32, #tpu.memory_space<vmem>> -> memref<128xi32, #tpu.memory_space<vmem>>
        %dma_start3A_202 = arith.constant 0 : i32
        %dma_start3A_203 = arith.constant 0 : i32
        %dma_start3A_204 = tpu.memref_slice %arg3[%dma_start3A_202, %dma_start3A_203] : memref<100000x128xf32, #tpu.memory_space<hbm>> -> memref<100000x128xf32, #tpu.memory_space<hbm>>
        tpu.enqueue_indirect_dma source(%dma_start3A_204 : memref<100000x128xf32, #tpu.memory_space<hbm>>) target(%arg8 : memref<128x128xf32, #tpu.memory_space<vmem>>) offsets(%dma_start3A_201 : memref<128xi32, #tpu.memory_space<vmem>>) semaphore(%arg12 : memref<!tpu.dma_semaphore, #tpu.memory_space<semaphore_mem>>)
      } else {
      }
      %ge3A_142 = arith.constant 2 : i32
      %ge3A_143 = arith.cmpi sge, %add3A_131, %ge3A_142 : i32
      %convert_element_type3A_144 = arith.extui %ge3A_143 : i1 to i32
      %cond3A_145 = arith.constant 0 : i32
      %cond3A_146 = arith.cmpi ne, %convert_element_type3A_144, %cond3A_145 : i32
      scf.if %cond3A_146 {
        %dma_wait3A_197 = arith.constant 0 : i32
        %dma_wait3A_198 = arith.constant 0 : i32
        %dma_wait3A_199 = tpu.memref_slice %arg4[%mul3A_2, %dma_wait3A_198] : memref<819200x128xf32, #tpu.memory_space<hbm>> -> memref<128x128xf32, #tpu.memory_space<hbm>>
        %dma_wait3A_200 = arith.constant 0 : i32
        %dma_wait3A_201 = arith.constant 0 : i32
        %dma_wait3A_202 = tpu.memref_slice %arg6[%arg1, %dma_wait3A_197, %dma_wait3A_200, %dma_wait3A_201] : memref<16x2x128x128xf32, #tpu.memory_space<vmem_shared>> -> memref<1x1x128x128xf32, #tpu.memory_space<vmem_shared>>
        %dma_wait3A_203 = tpu.memref_squeeze %dma_wait3A_202 : memref<1x1x128x128xf32, #tpu.memory_space<vmem_shared>> -> memref<128x128xf32, #tpu.memory_space<vmem_shared>>
        tpu.wait_dma2 semaphore(%arg17 : memref<!tpu.dma_semaphore, #tpu.memory_space<semaphore_mem>>) src(%dma_wait3A_203 : memref<128x128xf32, #tpu.memory_space<vmem_shared>>) dst(%dma_wait3A_199 : memref<128x128xf32, #tpu.memory_space<hbm>>)
      } else {
      }
      %dma_wait3A_147 = arith.constant 0 : i32
      %dma_wait3A_148 = tpu.memref_slice %arg5[%add3A_131, %dma_wait3A_147] : memref<200x128xi32, #tpu.memory_space<vmem>> -> memref<1x128xi32, #tpu.memory_space<vmem>>
      %dma_wait3A_149 = tpu.memref_squeeze %dma_wait3A_148 : memref<1x128xi32, #tpu.memory_space<vmem>> -> memref<128xi32, #tpu.memory_space<vmem>>
      %dma_wait3A_150 = arith.constant 0 : i32
      %dma_wait3A_151 = arith.constant 0 : i32
      %dma_wait3A_152 = tpu.memref_slice %arg3[%dma_wait3A_150, %dma_wait3A_151] : memref<100000x128xf32, #tpu.memory_space<hbm>> -> memref<100000x128xf32, #tpu.memory_space<hbm>>
      tpu.wait_indirect_dma semaphore(%arg13 : memref<!tpu.dma_semaphore, #tpu.memory_space<semaphore_mem>>) src(%dma_wait3A_152 : memref<100000x128xf32, #tpu.memory_space<hbm>>) dst(%arg9 : memref<128x128xf32, #tpu.memory_space<vmem>>)
      %dma_start3A_153 = arith.constant 0 : i32
      %dma_start3A_154 = arith.constant 0 : i32
      %dma_start3A_155 = arith.constant 0 : i32
      %dma_start3A_156 = tpu.memref_slice %arg6[%arg1, %dma_start3A_153, %dma_start3A_154, %dma_start3A_155] : memref<16x2x128x128xf32, #tpu.memory_space<vmem_shared>> -> memref<1x1x128x128xf32, #tpu.memory_space<vmem_shared>>
      %dma_start3A_157 = tpu.memref_squeeze %dma_start3A_156 : memref<1x1x128x128xf32, #tpu.memory_space<vmem_shared>> -> memref<128x128xf32, #tpu.memory_space<vmem_shared>>
      %dma_start3A_158 = arith.constant 0 : i32
      %dma_start3A_159 = arith.constant 0 : i32
      %dma_start3A_160 = tpu.memref_slice %arg6[%arg1, %dma_start3A_153, %dma_start3A_158, %dma_start3A_159] : memref<16x2x128x128xf32, #tpu.memory_space<vmem_shared>> -> memref<1x1x128x128xf32, #tpu.memory_space<vmem_shared>>
      %dma_start3A_161 = tpu.memref_squeeze %dma_start3A_160 : memref<1x1x128x128xf32, #tpu.memory_space<vmem_shared>> -> memref<128x128xf32, #tpu.memory_space<vmem_shared>>
      tpu.enqueue_dma source(%arg9 : memref<128x128xf32, #tpu.memory_space<vmem>>) target(%dma_start3A_161 : memref<128x128xf32, #tpu.memory_space<vmem_shared>>) target_semaphore(%arg15 : memref<!tpu.dma_semaphore, #tpu.memory_space<semaphore_mem>>)
      %mul3A_162 = arith.constant 4 : i32
      %mul3A_163 = arith.muli %scan3A_62, %mul3A_162 : i32
      %add3A_164 = arith.constant 3 : i32
      %add3A_165 = arith.addi %mul3A_163, %add3A_164 : i32
      %ge3A_166 = arith.constant 1 : i32
      %ge3A_167 = arith.cmpi sge, %add3A_165, %ge3A_166 : i32
      %convert_element_type3A_168 = arith.extui %ge3A_167 : i1 to i32
      %cond3A_169 = arith.constant 0 : i32
      %cond3A_170 = arith.cmpi ne, %convert_element_type3A_168, %cond3A_169 : i32
      scf.if %cond3A_170 {
        %dma_wait3A_197 = arith.constant 0 : i32
        %dma_wait3A_198 = arith.constant 0 : i32
        %dma_wait3A_199 = arith.constant 0 : i32
        %dma_wait3A_200 = tpu.memref_slice %arg6[%arg1, %dma_wait3A_197, %dma_wait3A_198, %dma_wait3A_199] : memref<16x2x128x128xf32, #tpu.memory_space<vmem_shared>> -> memref<1x1x128x128xf32, #tpu.memory_space<vmem_shared>>
        %dma_wait3A_201 = tpu.memref_squeeze %dma_wait3A_200 : memref<1x1x128x128xf32, #tpu.memory_space<vmem_shared>> -> memref<128x128xf32, #tpu.memory_space<vmem_shared>>
        %dma_wait3A_202 = arith.constant 0 : i32
        %dma_wait3A_203 = arith.constant 0 : i32
        %dma_wait3A_204 = tpu.memref_slice %arg6[%arg1, %dma_wait3A_197, %dma_wait3A_202, %dma_wait3A_203] : memref<16x2x128x128xf32, #tpu.memory_space<vmem_shared>> -> memref<1x1x128x128xf32, #tpu.memory_space<vmem_shared>>
        %dma_wait3A_205 = tpu.memref_squeeze %dma_wait3A_204 : memref<1x1x128x128xf32, #tpu.memory_space<vmem_shared>> -> memref<128x128xf32, #tpu.memory_space<vmem_shared>>
        tpu.wait_dma2 semaphore(%arg15 : memref<!tpu.dma_semaphore, #tpu.memory_space<semaphore_mem>>) src(%arg10 : memref<128x128xf32, #tpu.memory_space<vmem>>) dst(%dma_wait3A_205 : memref<128x128xf32, #tpu.memory_space<vmem_shared>>)
        %sub3A = arith.constant 1 : i32
        %sub3A_206 = arith.subi %add3A_165, %sub3A : i32
        %mul3A_207 = arith.constant 128 : i32
        %mul3A_208 = arith.muli %sub3A_206, %mul3A_207 : i32
        %add3A_209 = arith.addi %mul3A_2, %mul3A_208 : i32
        %dma_start3A_210 = arith.constant 0 : i32
        %dma_start3A_211 = arith.constant 0 : i32
        %dma_start3A_212 = tpu.memref_slice %arg4[%add3A_209, %dma_start3A_211] : memref<819200x128xf32, #tpu.memory_space<hbm>> -> memref<128x128xf32, #tpu.memory_space<hbm>>
        %dma_start3A_213 = arith.constant 0 : i32
        %dma_start3A_214 = arith.constant 0 : i32
        %dma_start3A_215 = tpu.memref_slice %arg6[%arg1, %dma_start3A_210, %dma_start3A_213, %dma_start3A_214] : memref<16x2x128x128xf32, #tpu.memory_space<vmem_shared>> -> memref<1x1x128x128xf32, #tpu.memory_space<vmem_shared>>
        %dma_start3A_216 = tpu.memref_squeeze %dma_start3A_215 : memref<1x1x128x128xf32, #tpu.memory_space<vmem_shared>> -> memref<128x128xf32, #tpu.memory_space<vmem_shared>>
        tpu.enqueue_dma source(%dma_start3A_216 : memref<128x128xf32, #tpu.memory_space<vmem_shared>>) target(%dma_start3A_212 : memref<128x128xf32, #tpu.memory_space<hbm>>) target_semaphore(%arg17 : memref<!tpu.dma_semaphore, #tpu.memory_space<semaphore_mem>>)
      } else {
      }
      %lt3A_171 = arith.constant 197 : i32
      %lt3A_172 = arith.cmpi slt, %add3A_165, %lt3A_171 : i32
      %convert_element_type3A_173 = arith.extui %lt3A_172 : i1 to i32
      %cond3A_174 = arith.constant 0 : i32
      %cond3A_175 = arith.cmpi ne, %convert_element_type3A_173, %cond3A_174 : i32
      scf.if %cond3A_175 {
        %add3A_197 = arith.constant 3 : i32
        %add3A_198 = arith.addi %add3A_165, %add3A_197 : i32
        %dma_start3A_199 = arith.constant 0 : i32
        %dma_start3A_200 = tpu.memref_slice %arg5[%add3A_198, %dma_start3A_199] : memref<200x128xi32, #tpu.memory_space<vmem>> -> memref<1x128xi32, #tpu.memory_space<vmem>>
        %dma_start3A_201 = tpu.memref_squeeze %dma_start3A_200 : memref<1x128xi32, #tpu.memory_space<vmem>> -> memref<128xi32, #tpu.memory_space<vmem>>
        %dma_start3A_202 = arith.constant 0 : i32
        %dma_start3A_203 = arith.constant 0 : i32
        %dma_start3A_204 = tpu.memref_slice %arg3[%dma_start3A_202, %dma_start3A_203] : memref<100000x128xf32, #tpu.memory_space<hbm>> -> memref<100000x128xf32, #tpu.memory_space<hbm>>
        tpu.enqueue_indirect_dma source(%dma_start3A_204 : memref<100000x128xf32, #tpu.memory_space<hbm>>) target(%arg9 : memref<128x128xf32, #tpu.memory_space<vmem>>) offsets(%dma_start3A_201 : memref<128xi32, #tpu.memory_space<vmem>>) semaphore(%arg13 : memref<!tpu.dma_semaphore, #tpu.memory_space<semaphore_mem>>)
      } else {
      }
      %ge3A_176 = arith.constant 2 : i32
      %ge3A_177 = arith.cmpi sge, %add3A_165, %ge3A_176 : i32
      %convert_element_type3A_178 = arith.extui %ge3A_177 : i1 to i32
      %cond3A_179 = arith.constant 0 : i32
      %cond3A_180 = arith.cmpi ne, %convert_element_type3A_178, %cond3A_179 : i32
      scf.if %cond3A_180 {
        %dma_wait3A_197 = arith.constant 1 : i32
        %dma_wait3A_198 = arith.constant 0 : i32
        %dma_wait3A_199 = tpu.memref_slice %arg4[%mul3A_2, %dma_wait3A_198] : memref<819200x128xf32, #tpu.memory_space<hbm>> -> memref<128x128xf32, #tpu.memory_space<hbm>>
        %dma_wait3A_200 = arith.constant 0 : i32
        %dma_wait3A_201 = arith.constant 0 : i32
        %dma_wait3A_202 = tpu.memref_slice %arg6[%arg1, %dma_wait3A_197, %dma_wait3A_200, %dma_wait3A_201] : memref<16x2x128x128xf32, #tpu.memory_space<vmem_shared>> -> memref<1x1x128x128xf32, #tpu.memory_space<vmem_shared>>
        %dma_wait3A_203 = tpu.memref_squeeze %dma_wait3A_202 : memref<1x1x128x128xf32, #tpu.memory_space<vmem_shared>> -> memref<128x128xf32, #tpu.memory_space<vmem_shared>>
        tpu.wait_dma2 semaphore(%arg18 : memref<!tpu.dma_semaphore, #tpu.memory_space<semaphore_mem>>) src(%dma_wait3A_203 : memref<128x128xf32, #tpu.memory_space<vmem_shared>>) dst(%dma_wait3A_199 : memref<128x128xf32, #tpu.memory_space<hbm>>)
      } else {
      }
      %dma_wait3A_181 = arith.constant 0 : i32
      %dma_wait3A_182 = tpu.memref_slice %arg5[%add3A_165, %dma_wait3A_181] : memref<200x128xi32, #tpu.memory_space<vmem>> -> memref<1x128xi32, #tpu.memory_space<vmem>>
      %dma_wait3A_183 = tpu.memref_squeeze %dma_wait3A_182 : memref<1x128xi32, #tpu.memory_space<vmem>> -> memref<128xi32, #tpu.memory_space<vmem>>
      %dma_wait3A_184 = arith.constant 0 : i32
      %dma_wait3A_185 = arith.constant 0 : i32
      %dma_wait3A_186 = tpu.memref_slice %arg3[%dma_wait3A_184, %dma_wait3A_185] : memref<100000x128xf32, #tpu.memory_space<hbm>> -> memref<100000x128xf32, #tpu.memory_space<hbm>>
      tpu.wait_indirect_dma semaphore(%arg14 : memref<!tpu.dma_semaphore, #tpu.memory_space<semaphore_mem>>) src(%dma_wait3A_186 : memref<100000x128xf32, #tpu.memory_space<hbm>>) dst(%arg10 : memref<128x128xf32, #tpu.memory_space<vmem>>)
      %dma_start3A_187 = arith.constant 1 : i32
      %dma_start3A_188 = arith.constant 0 : i32
      %dma_start3A_189 = arith.constant 0 : i32
      %dma_start3A_190 = tpu.memref_slice %arg6[%arg1, %dma_start3A_187, %dma_start3A_188, %dma_start3A_189] : memref<16x2x128x128xf32, #tpu.memory_space<vmem_shared>> -> memref<1x1x128x128xf32, #tpu.memory_space<vmem_shared>>
      %dma_start3A_191 = tpu.memref_squeeze %dma_start3A_190 : memref<1x1x128x128xf32, #tpu.memory_space<vmem_shared>> -> memref<128x128xf32, #tpu.memory_space<vmem_shared>>
      %dma_start3A_192 = arith.constant 0 : i32
      %dma_start3A_193 = arith.constant 0 : i32
      %dma_start3A_194 = tpu.memref_slice %arg6[%arg1, %dma_start3A_187, %dma_start3A_192, %dma_start3A_193] : memref<16x2x128x128xf32, #tpu.memory_space<vmem_shared>> -> memref<1x1x128x128xf32, #tpu.memory_space<vmem_shared>>
      %dma_start3A_195 = tpu.memref_squeeze %dma_start3A_194 : memref<1x1x128x128xf32, #tpu.memory_space<vmem_shared>> -> memref<128x128xf32, #tpu.memory_space<vmem_shared>>
      tpu.enqueue_dma source(%arg10 : memref<128x128xf32, #tpu.memory_space<vmem>>) target(%dma_start3A_195 : memref<128x128xf32, #tpu.memory_space<vmem_shared>>) target_semaphore(%arg16 : memref<!tpu.dma_semaphore, #tpu.memory_space<semaphore_mem>>)
      %scan3A_196 = arith.constant 0 : i32
      scf.yield %scan3A_196 : i32
    }
    %scan3A_30 = arith.constant 50 : i32
    %dma_wait3A = arith.constant 1 : i32
    %dma_wait3A_31 = arith.constant 0 : i32
    %dma_wait3A_32 = arith.constant 0 : i32
    %dma_wait3A_33 = tpu.memref_slice %arg6[%arg1, %dma_wait3A, %dma_wait3A_31, %dma_wait3A_32] : memref<16x2x128x128xf32, #tpu.memory_space<vmem_shared>> -> memref<1x1x128x128xf32, #tpu.memory_space<vmem_shared>>
    %dma_wait3A_34 = tpu.memref_squeeze %dma_wait3A_33 : memref<1x1x128x128xf32, #tpu.memory_space<vmem_shared>> -> memref<128x128xf32, #tpu.memory_space<vmem_shared>>
    %dma_wait3A_35 = arith.constant 0 : i32
    %dma_wait3A_36 = arith.constant 0 : i32
    %dma_wait3A_37 = tpu.memref_slice %arg6[%arg1, %dma_wait3A, %dma_wait3A_35, %dma_wait3A_36] : memref<16x2x128x128xf32, #tpu.memory_space<vmem_shared>> -> memref<1x1x128x128xf32, #tpu.memory_space<vmem_shared>>
    %dma_wait3A_38 = tpu.memref_squeeze %dma_wait3A_37 : memref<1x1x128x128xf32, #tpu.memory_space<vmem_shared>> -> memref<128x128xf32, #tpu.memory_space<vmem_shared>>
    tpu.wait_dma2 semaphore(%arg16 : memref<!tpu.dma_semaphore, #tpu.memory_space<semaphore_mem>>) src(%arg10 : memref<128x128xf32, #tpu.memory_space<vmem>>) dst(%dma_wait3A_38 : memref<128x128xf32, #tpu.memory_space<vmem_shared>>)
    %add3A_39 = arith.constant 25472 : i32
    %add3A_40 = arith.addi %mul3A_2, %add3A_39 : i32
    %dma_start3A_41 = arith.constant 1 : i32
    %dma_start3A_42 = arith.constant 0 : i32
    %dma_start3A_43 = tpu.memref_slice %arg4[%add3A_40, %dma_start3A_42] : memref<819200x128xf32, #tpu.memory_space<hbm>> -> memref<128x128xf32, #tpu.memory_space<hbm>>
    %dma_start3A_44 = arith.constant 0 : i32
    %dma_start3A_45 = arith.constant 0 : i32
    %dma_start3A_46 = tpu.memref_slice %arg6[%arg1, %dma_start3A_41, %dma_start3A_44, %dma_start3A_45] : memref<16x2x128x128xf32, #tpu.memory_space<vmem_shared>> -> memref<1x1x128x128xf32, #tpu.memory_space<vmem_shared>>
    %dma_start3A_47 = tpu.memref_squeeze %dma_start3A_46 : memref<1x1x128x128xf32, #tpu.memory_space<vmem_shared>> -> memref<128x128xf32, #tpu.memory_space<vmem_shared>>
    tpu.enqueue_dma source(%dma_start3A_47 : memref<128x128xf32, #tpu.memory_space<vmem_shared>>) target(%dma_start3A_43 : memref<128x128xf32, #tpu.memory_space<hbm>>) target_semaphore(%arg18 : memref<!tpu.dma_semaphore, #tpu.memory_space<semaphore_mem>>)
    %dma_wait3A_48 = arith.constant 0 : i32
    %dma_wait3A_49 = arith.constant 0 : i32
    %dma_wait3A_50 = tpu.memref_slice %arg4[%mul3A_2, %dma_wait3A_49] : memref<819200x128xf32, #tpu.memory_space<hbm>> -> memref<128x128xf32, #tpu.memory_space<hbm>>
    %dma_wait3A_51 = arith.constant 0 : i32
    %dma_wait3A_52 = arith.constant 0 : i32
    %dma_wait3A_53 = tpu.memref_slice %arg6[%arg1, %dma_wait3A_48, %dma_wait3A_51, %dma_wait3A_52] : memref<16x2x128x128xf32, #tpu.memory_space<vmem_shared>> -> memref<1x1x128x128xf32, #tpu.memory_space<vmem_shared>>
    %dma_wait3A_54 = tpu.memref_squeeze %dma_wait3A_53 : memref<1x1x128x128xf32, #tpu.memory_space<vmem_shared>> -> memref<128x128xf32, #tpu.memory_space<vmem_shared>>
    tpu.wait_dma2 semaphore(%arg17 : memref<!tpu.dma_semaphore, #tpu.memory_space<semaphore_mem>>) src(%dma_wait3A_54 : memref<128x128xf32, #tpu.memory_space<vmem_shared>>) dst(%dma_wait3A_50 : memref<128x128xf32, #tpu.memory_space<hbm>>)
    %dma_wait3A_55 = arith.constant 1 : i32
    %dma_wait3A_56 = arith.constant 0 : i32
    %dma_wait3A_57 = tpu.memref_slice %arg4[%mul3A_2, %dma_wait3A_56] : memref<819200x128xf32, #tpu.memory_space<hbm>> -> memref<128x128xf32, #tpu.memory_space<hbm>>
    %dma_wait3A_58 = arith.constant 0 : i32
    %dma_wait3A_59 = arith.constant 0 : i32
    %dma_wait3A_60 = tpu.memref_slice %arg6[%arg1, %dma_wait3A_55, %dma_wait3A_58, %dma_wait3A_59] : memref<16x2x128x128xf32, #tpu.memory_space<vmem_shared>> -> memref<1x1x128x128xf32, #tpu.memory_space<vmem_shared>>
    %dma_wait3A_61 = tpu.memref_squeeze %dma_wait3A_60 : memref<1x1x128x128xf32, #tpu.memory_space<vmem_shared>> -> memref<128x128xf32, #tpu.memory_space<vmem_shared>>
    tpu.wait_dma2 semaphore(%arg18 : memref<!tpu.dma_semaphore, #tpu.memory_space<semaphore_mem>>) src(%dma_wait3A_61 : memref<128x128xf32, #tpu.memory_space<vmem_shared>>) dst(%dma_wait3A_57 : memref<128x128xf32, #tpu.memory_space<hbm>>)
    return
  }
}

</mosaic_0001>

<sc_bundles>
// kernel: _embed.3.cloned.1.call-start
scs
__scs_entry_jumppad:
0x0: {  	(pc) =	sbr.rel $0x88, $3  }
0x1: {  	(tag) =	ssettag $0x0;
	lr =	simm.s32 $0x1  }
0x2: {  	[smem:$0x3F9F] =	sst lr;
	_ =	strace $0xD0000000  }
0x3: {  	_ = 	snop  }
0x4: {  	_ = 	snop  }
0x5: {  	_ = 	snop  }
0x6: {  	_ = 	snop  }
0x7: {  	_ = 	snop  }
__scs_overlays_trampoline_lowered:
0x8: {  	[smem:$0x3FAE] =	sst s0  }
0x9: {  	[smem:$0x3FAF] =	sst s1  }
0xa: {  	[smem:$0x3FB0] =	sst s2  }
0xb: {  	[smem:$0x3FB1] =	sst s3  }
0xc: {  	[smem:$0x3FB2] =	sst s4  }
0xd: {  	[smem:$0x3FB3] =	sst s5  }
0xe: {  	[smem:$0x3FB4] =	sst s6  }
0xf: {  	[smem:$0x3FB5] =	sst s7  }
0x10: {  	[smem:$0x3FB6] =	sst s8  }
0x11: {  	[smem:$0x3FB7] =	sst s9;
	s0 =	simm.s32 @!p0 $0x0  }
0x12: {  	s1 =	sld [smem:$0x3F9D];
	s0 =	simm.s32 @p0 $0x1  }
0x13: {  	[smem:$0x3FB8] =	sst s0;
	s0 =	simm.s32 @!p1 $0x0  }
0x14: {  	s2 =	sld [smem:$0x3F9C];
	s0 =	simm.s32 @p1 $0x1  }
0x15: {  	[smem:$0x3FB9] =	sst s0;
	s0 =	simm.s32 @!p2 $0x0  }
0x16: {  	s3 =	sld [smem:$0x3FDB];
	s0 =	simm.s32 @p2 $0x1  }
0x17: {  	s4 =	simm.s32 $0x1BF5;
	[smem:$0x3FBB] =	sst s0  }
0x18: {  	s0 =	sld [smem:$0x3F9E];
	_ =	swait.ge [sflag:s4], $0x0  }
0x19: {  	s7 =	sld [smem:$0x3F9F]  }
0x1a: {  	s8 =	sadd.s32 $0xFFFFE003, lr  }
0x1b: {  	s9 =	sadd.s32 $0xFFFFFEF7, lr;
	s5 =	simm.s32 $0xFFFFFFFF;
	p2 =	slt.u32 s8, $0xFFFFF086  }
0x1c: {  	p1 =	slt.u32 s9, $0xF7A;
	s5 =	simm.s32 @!p2 $0x0  }
0x1d: {  	s5 =	simm.s32 @p1 $0x1;
	p0 =	seq.s32 s7, s2  }
0x1e: {  	s7 =	smul.u32 @!p0 $0xF7A, s2;
	p2 =	seq.s32 @!p0 s5, $0x0  }
0x1f: {  	s9 =	smul.u32 $0xF7A, s1;
	s8 =	simm.s32 @!p0 $0x1BF5;
	p2 =	por !p2, p0  }
0x20: {  	[sflag:s8] =	ssyncset.s32 @!p0 $0xFFFFF086;
	s6 =	sadd.s32 @!p0 s3, s7;
	s7 =	simm.s32 @!p0 $0x108  }
0x21: {  	s3 =	sadd.s32 s3, s9;
	s6 =	sadd.s32 @!p0 $0x88, s6;
	s7 =	simm.s32 @p2 $0x1082  }
0x22: {  	[simem:s7], [sflag:s8] =	dma.local @!p0 [hbm:s6], $0xF7A  }
0x23: {  	s9 =	sor.u32 $0xD0000000, s2;
	s6 =	simm.s32 $0x108;
	_ =	swait.ge @!p0 [sflag:s8], $0x0  }
0x24: {  	s3 =	sadd.s32 $0x88, s3;
	s6 =	simm.s32 @!p1 $0x1082;
	[sflag:s4] =	ssyncset.s32 $0xFFFFF086  }
0x25: {  	[simem:s6], [sflag:s4] =	dma.local [hbm:s3], $0xF7A  }
0x26: {  	[smem:$0x3F9F] =	sst s1;
	(tag) =	ssettag s2;
	_ =	strace s9  }
0x27: {  	s1 =	sld [smem:$0x3FAF]  }
0x28: {  	s2 =	sld [smem:$0x3FB0]  }
0x29: {  	s4 =	sld [smem:$0x3FB2]  }
0x2a: {  	p0 =	seq.s32 s5, $0x0;
	s5 =	sld [smem:$0x3FB3]  }
0x2b: {  	s6 =	sld [smem:$0x3FB4]  }
0x2c: {  	s7 =	sld [smem:$0x3FB5]  }
0x2d: {  	s3 =	simm.s32 $0x108;
	s8 =	sld [smem:$0x3FB6]  }
0x2e: {  	s3 =	simm.s32 @!p0 $0x1082;
	s9 =	sld [smem:$0x3FB7]  }
0x2f: {  	lr =	sadd.s32 s0, s3;
	s0 =	sld [smem:$0x3FAE]  }
0x30: {  	s3 =	sld [smem:$0x3FB1]  }
0x31: {  	[smem:$0x3FBA] =	sst s10  }
0x32: {  	s10 =	sld [smem:$0x3FB8];
	_ =	sdelay $0x3  }
0x33: {  	p0 =	seq.s32 s10, $0x1;
	s10 =	sld [smem:$0x3FBA];
	_ =	sdelay $0x3  }
0x34: {  	[smem:$0x3FBA] =	sst s10  }
0x35: {  	s10 =	sld [smem:$0x3FB9];
	_ =	sdelay $0x3  }
0x36: {  	p1 =	seq.s32 s10, $0x1;
	s10 =	sld [smem:$0x3FBA];
	_ =	sdelay $0x3  }
0x37: {  	[smem:$0x3FBA] =	sst s10  }
0x38: {  	s10 =	sld [smem:$0x3FBB]  }
0x39: {  	_ = 	snop;
	(pc) =	sbr.ind lr, $3  }
0x3a: {  	_ = 	snop  }
0x3b: {  	_ = 	snop  }
0x3c: {  	p2 =	seq.s32 s10, $0x1;
	s10 =	sld [smem:$0x3FBA]  }
0x3d: {  	_ =	shalt  }
0x3e: {  	_ =	shalt  }
0x3f: {  	_ =	shalt  }
0x40: {  	_ =	shalt  }
0x41: {  	_ =	shalt  }
0x42: {  	_ =	shalt  }
0x43: {  	_ =	shalt  }
0x44: {  	_ =	shalt  }
0x45: {  	_ =	shalt  }
0x46: {  	_ =	shalt  }
0x47: {  	_ =	shalt  }
0x48: {  	_ =	shalt  }
0x49: {  	_ =	shalt  }
0x4a: {  	_ =	shalt  }
0x4b: {  	_ =	shalt  }
0x4c: {  	_ =	shalt  }
0x4d: {  	_ =	shalt  }
0x4e: {  	_ =	shalt  }
0x4f: {  	_ =	shalt  }
0x50: {  	_ =	shalt  }
0x51: {  	_ =	shalt  }
0x52: {  	_ =	shalt  }
0x53: {  	_ =	shalt  }
0x54: {  	_ =	shalt  }
0x55: {  	_ =	shalt  }
0x56: {  	_ =	shalt  }
0x57: {  	_ =	shalt  }
0x58: {  	_ =	shalt  }
0x59: {  	_ =	shalt  }
0x5a: {  	_ =	shalt  }
0x5b: {  	_ =	shalt  }
0x5c: {  	_ =	shalt  }
0x5d: {  	_ =	shalt  }
0x5e: {  	_ =	shalt  }
0x5f: {  	_ =	shalt  }
0x60: {  	_ =	shalt  }
0x61: {  	_ =	shalt  }
0x62: {  	_ =	shalt  }
0x63: {  	_ =	shalt  }
0x64: {  	_ =	shalt  }
0x65: {  	_ =	shalt  }
0x66: {  	_ =	shalt  }
0x67: {  	_ =	shalt  }
0x68: {  	_ =	shalt  }
0x69: {  	_ =	shalt  }
0x6a: {  	_ =	shalt  }
0x6b: {  	_ =	shalt  }
0x6c: {  	_ =	shalt  }
0x6d: {  	_ =	shalt  }
0x6e: {  	_ =	shalt  }
0x6f: {  	_ =	shalt  }
0x70: {  	_ =	shalt  }
0x71: {  	_ =	shalt  }
0x72: {  	_ =	shalt  }
0x73: {  	_ =	shalt  }
0x74: {  	_ =	shalt  }
0x75: {  	_ =	shalt  }
0x76: {  	_ =	shalt  }
0x77: {  	_ =	shalt  }
0x78: {  	_ =	shalt  }
0x79: {  	_ =	shalt  }
0x7a: {  	_ =	shalt  }
0x7b: {  	_ =	shalt  }
0x7c: {  	_ =	shalt  }
0x7d: {  	_ =	shalt  }
0x7e: {  	_ =	shalt  }
0x7f: {  	_ =	shalt  }
0x80: {  	_ =	shalt  }
0x81: {  	_ =	shalt  }
0x82: {  	_ =	shalt  }
0x83: {  	_ =	shalt  }
0x84: {  	_ =	shalt  }
0x85: {  	_ =	shalt  }
0x86: {  	_ =	shalt  }
0x87: {  	_ =	shalt  }
.Lfunc_end0:
.L_simem_size_0:
called_computation_lowered:
.L_overlay_start_0:
0x88: {  	s2 =	sld [smem:$0x3FD9]  }
0x89: {  	s3 =	sld [smem:$0x3FFE];
	_ =	sdelay $0x1  }
0x8a: {  	s1 =	srdreg.scid  }
0x8b: {  	s0 =	sand.u32 $0x1, s1  }
0x8c: {  	s18 =	sshll.u32 s0, $0xA;
	s2 =	sadd.s32 s3, s2  }
0x8d: {  	s2 =	sadd.s32 s2, s18  }
0x8e: {  	[smem:$0x3FC6] =	sst s2  }
0x8f: {  	_ = 	snop  }
0x90: {  	s2 =	sld [smem:$0x3FC9]  }
0x91: {  	s19 =	sld [smem:$0x3FC8]  }
0x92: {  	s4 =	sld [smem:$0x3FD0];
	(tm) =	ssettm $0x1  }
0x93: {  	s5 =	sld [smem:$0x3FFB];
	_ =	sdelay $0x3  }
0x94: {  	_ =	strace s5  }
0x95: {  	s5 =	sld [smem:$0x3FFC];
	_ =	sdelay $0x3  }
0x96: {  	_ =	strace s5  }
0x97: {  	s5 =	sld [smem:$0x3FFD];
	_ =	sdelay $0x3  }
0x98: {  	_ =	strace s5  }
0x99: {  	_ =	strace $0x8FFFFFFF  }
0x9a: {  	s20 =	sld [smem:$0x3FDB];
	_ =	sdelay $0x1  }
0x9b: {  	s6 =	simm.s32 $_scs_section_size  }
0x9c: {  	s7 =	simm.s32 $_size__tile_overlayer_lowered;
	s8 =	simm.s32 $_tile_overlayer_lowered  }
0x9d: {  	s23 =	simm.s32 $0x1BFF;
	s22 =	sshll.u32 s8, $0x1;
	s5 =	sadd.s32 s6, s20  }
0x9e: {  	s9 =	simm.s32 $0x0;
	s21 =	sshll.u32 s7, $0x1;
	s7 =	sadd.s32 s22, s5  }
0x9f: {  	[timem:s9], [sflag:s23] =	dma.local [hbm:s7], s21  }
0xa0: {  	_ =	swait.ge [sflag:s23], s21  }
0xa1: {  	s6 =	ssub.s32 $0x0, s21;
	[sflag:s23] =	ssyncset.done $0x0  }
0xa2: {  	[sflag:s23] =	ssyncadd.s32 s6;
	_ =	sdelay $0x1  }
0xa3: {  	s24 =	simm.s32 $0x1B8B  }
0xa4: {  	_ =	swait.ge [sflag:s24], $0x1  }
0xa5: {  	[sflag:s24] =	ssyncset.done $0x0  }
0xa6: {  	s25 =	simm.s32 $0x1B8E;
	[sflag:s24] =	ssyncadd.s32 $0xFFFFFFFF  }
0xa7: {  	s26 =	simm.s32 $execute0_lowered;
	[smem:$0x3FD2] =	sst s25  }
0xa8: {  	s6 =	sshll.u32 s26, $0x1;
	_ =	strace $0x80000046;
	[dreg:$0x1] =	wrdreg $0xFFFFFFFF  }
0xa9: {  	s28 =	simm.s32 $_size_execute0_lowered;
	s5 =	sadd.s32 s5, s6;
	[dreg:$0x0] =	wrdreg $0x0  }
0xaa: {  	s6 =	sshll.u32 s28, $0x1;
	[dreg:$0x2] =	wrdreg s5  }
0xab: {  	[dreg:$0x3] =	wrdreg s6  }
0xac: {  	[dreg:$0x4] =	wrdreg $0xC0  }
0xad: {  	_ =	task [dreg:s9], $0x5FFFF  }
0xae: {  	[dreg:$0x1] =	wrdreg $0xFFFFFFFF  }
0xaf: {  	[dreg:$0x0] =	wrdreg $0x60  }
0xb0: {  	[dreg:$0x2] =	wrdreg s2  }
0xb1: {  	[dreg:$0x3] =	wrdreg s19  }
0xb2: {  	[dreg:$0x4] =	wrdreg s4  }
0xb3: {  	[dreg:$0x5] =	wrdreg $0x64000  }
0xb4: {  	[dreg:$0x6] =	wrdreg $0x9  }
0xb5: {  	_ =	task.clear_ibuf [dreg:s9], $0x7FFFF;
	_ =	strace $0x90000046  }
0xb6: {  	s29 =	simm.s32 $0x9;
	_ =	strace $0x80000048  }
0xb7: {  	_ =	swait.ge [sflag:s29], $0x1  }
0xb8: {  	[sflag:s29] =	ssyncadd.s32 $0xFFFFFFFF  }
0xb9: {  	_ =	strace $0x90000048  }
0xba: {  	_ =	sfence  }
0xbb: {  	s30 =	sld [smem:$0x0];
	_ =	sdelay $0x2  }
0xbc: {  	s31 =	sshll.u32 s1, $0xD;
	s1 =	sshrl.u32 s1, $0x2  }
0xbd: {  	s3 =	sand.u32 $0x4000, s31;
	s1 =	sadd.s32 s1, s30  }
0xbe: {  	s0 =	sor.u32 s3, s0;
	s1 =	sshll.u32 s1, $0x11  }
0xbf: {  	s0 =	sor.u32 s1, s0  }
0xc0: {  	s0 =	sadd.s32 $0x8F2B, s0  }
0xc1: {  	[sflag:s0] =	ssyncadd.remote.s32 $0x1  }
0xc2: {  	_ =	sfence.sel $0xFFFF  }
0xc3: {  	[dreg:$0x0] =	wrdreg $0xFFFFFFFF;
	(pc) =	sbr.abs _section_cstart, $3  }
0xc4: {  	[dreg:$0x1] =	wrdreg $0xFFFFFFFF  }
0xc5: {  	_ =	task.clear_ibuf [dreg:s9], $0x2FFFF;
	_ =	strace $0x9FFFFFFF  }
0xc6: {  	(tm) =	ssettm $0x7FFFFFFF  }
0xc7: {  	_ =	shalt  }
tec
execute0_lowered:
.L_overlay_start_1:
0x0: {  	(tag) =	ssettag $0x1  }
0x1: {  	s2 =	rddreg [dreg:$0x0]  }
0x2: {  	s1 =	rddreg [dreg:$0x1]  }
0x3: {  	s3 =	srdreg.scid;
	s5 =	rddreg [dreg:$0x2]  }
0x4: {  	s26 =	stileid.u32;
	s6 =	rddreg [dreg:$0x3];
	s0 =	simm.s32 $0x0  }
0x5: {  	s15 =	simm.s32 $0x1;
	s16 =	simm.s32 $0x5;
	s31 =	simm.s32 $0x1A400  }
0x6: {  	s14 =	simm.s32 $0x16400;
	s3 =	sand.u32 $0x1, s3;
	s9 =	smul.u32 $0xC8000, s26  }
0x7: {  	s4 =	sshll.u32 s26, $0x1;
	[smem:$0x7FF] =	sst s0;
	s12 =	smul.u32 $0x640000, s26  }
0x8: {  	s18 =	sshll.u32 s26, $0xF;
	s30 =	sshll.u32 s26, $0x6;
	s11 =	smul.u32 $0x64000, s3  }
0x9: {  	s4 =	sor.u32 s3, s4;
	s17 =	ssub.s32 $0x2, s3;
	s3 =	smul.u32 $0x320000, s3  }
0xa: {  	_ =	strace $0x80000047;
	[dreg:$0x9] =	wrdreg s31;
	s7 =	smul.u32 $0xC80, s4  }
0xb: {  	s8 =	smul.u32 $0x320000, s4;
	s10 =	sshrl.u32 s17, $0x1;
	s4 =	sadd.s32 s18, s6  }
0xc: {  	s9 =	sadd.s32 s9, s5;
	s10 =	ssub.s32 s17, s10;
	s6 =	sadd.s32 $0x4000, s4  }
0xd: {  	s20 =	sadd.s32 s11, s9;
	s3 =	sadd.s32 s3, s12;
	s17 =	sor.u32 $0x1C07, s30  }
0xe: {  	s18 =	sshrl.u32 s4, $0x3;
	s19 =	sadd.s32 s2, s7;
	s21 =	sshrl.u32 s8, $0x3  }
0xf: {  	s2 =	sadd.s32 $0xFFFFF800, s20;
	s22 =	sshrl.u32 s3, $0x3;
	s23 =	sor.u32 $0x8000, s3  }
0x10: {  	s3 =	sor.u32 $0x4000, s3;
	s29 =	smax.u32 s10, $0x1;
	[dreg:$0xa] =	wrdreg s19  }
0x11: {  	s20 =	simm.s32 $0x6;
	[dreg:$0x5] =	wrdreg s2;
	s2 =	sadd.s32 s22, s5  }
0x12: {  	s8 =	sshrl.u32 s23, $0x3;
	s3 =	sshrl.u32 s3, $0x3;
	s7 =	sadd.s32 s5, s21  }
0x13: {  	[dreg:$0xc] =	wrdreg s29;
	s19 =	simm.s32 $0x2;
	s21 =	sor.u32 $0x1C08, s30  }
0x14: {  	s22 =	simm.s32 $0x7;
	[dreg:$0x6] =	wrdreg s2;
	s24 =	sadd.s32 s8, s5  }
0x15: {  	s23 =	simm.s32 $0x3;
	s28 =	sadd.s32 $0x63800, s7;
	[dreg:$0x7] =	wrdreg s24  }
0x16: {  	s25 =	sadd.s32 s3, s5;
	s2 =	simm.s32 $0x0;
	[dreg:$0xb] =	wrdreg s28  }
0x17: {  	[dreg:$0x8] =	wrdreg s25;
	s24 =	simm.s32 $0x8;
	s25 =	simm.s32 $0x4  }
.LBB2_1:
0x18: {  	[dreg:$0xd] =	wrdreg s2  }
0x19: {  	s0 =	simm.s32 $0x0;
	s5 =	rddreg [dreg:$0xa];
	s7 =	simm.s32 $0x9  }
0x1a: {  	[tilespmem:s0], [sflag:$0x9] =	stream.linear.gather [hbm4b:s5+s0], $0x6400, $0x38;
	[tilespmem:$0x1E400] =	vst v63  }
0x1b: {  	s8 =	simm.s32 $0x80;
	_ =	swait.ge [sflag:s7], $0x6400  }
0x1c: {  	s9 =	simm.s32 $0xE400;
	p1 =	por $0x0, $0x0;
	[sflag:s7] =	ssyncset.done $0x0  }
0x1d: {  	s11 =	simm.s32 $0x12400;
	p0 =	por p1, p1;
	[sflag:s7] =	ssyncadd.s32 $0xFFFF9C00  }
0x1e: {  	[tilespmem:s9], [sflag:$0x1] =	stream.indirect.gather [hbm4b:s1+s8], $0x80, s0, s8, $0xb8;
	[tilespmem:$0x1E400] =	vst v63  }
0x1f: {  	s3 =	simm.s32 $0x100;
	s10 =	simm.s32 $0x16400;
	s2 =	simm.s32 @p0 $0x6  }
0x20: {  	[tilespmem:s11], [sflag:$0x2] =	stream.indirect.gather [hbm4b:s1+s8], $0x80, s8, s8, $0xb8;
	[tilespmem:$0x1E400] =	vst v63  }
0x21: {  	s13 =	sshrl.u32 @p0 s6, $0x3;
	s28 =	simm.s32 @p0 $0x180;
	s7 =	simm.s32 @p0 $0x80  }
0x22: {  	[tilespmem:s10], [sflag:$0x3] =	stream.indirect.gather [hbm4b:s1+s8], $0x80, s3, s8, $0xb8;
	[tilespmem:$0x1E400] =	vst v63  }
0x23: {  	s3 =	sshll.u32 @p1 s26, $0x6;
	s8 =	simm.s32 @p0 $0x1A400;
	_ =	swait.ge @p0 [sflag:s2], $0x4000  }
0x24: {  	s3 =	sor.u32 @p1 $0x1C08, s3;
	s5 =	rddreg [dreg:$0x5];
	[sflag:s2] =	ssyncset.done @p0 $0x0  }
0x25: {  	[sflag:s2] =	ssyncadd.s32 @p0 $0xFFFFC000;
	s2 =	sadd.s32 @p0 $0x0, s5;
	s5 =	simm.s32 @p0 $0x7  }
0x26: {  	[hbm:s2], [sflag:s3] =	dma.local @p0 [spmem:s13], $0x800  }
0x27: {  	[tilespmem:s8], [sflag:$0x4] =	stream.indirect.gather @p0 [hbm4b:s1+s7], $0x80, s28, s7, $0xb8;
	[tilespmem:$0x1E400] =	vst v63  }
0x28: {  	_ =	swait.ge @p0 [sflag:s5], $0x800  }
0x29: {  	s2 =	simm.s32 @!p0 $0x1A400;
	[sflag:s5] =	ssyncset.done @p0 $0x0  }
0x2a: {  	s3 =	simm.s32 @!p0 $0x80;
	[sflag:s5] =	ssyncadd.s32 @p0 $0xFFFFF800;
	s5 =	simm.s32 @!p0 $0x180  }
0x2b: {  	[tilespmem:s2], [sflag:$0x4] =	stream.indirect.gather @!p0 [hbm4b:s1+s3], $0x80, s5, s3, $0xb8;
	[tilespmem:$0x1E400] =	vst v63  }
0x2c: {  	_ =	swait.ge [sflag:s15], $0x4000  }
0x2d: {  	p1 =	por $0x1, $0x1;
	s2 =	simm.s32 $0x0;
	[sflag:s15] =	ssyncset.done $0x0  }
0x2e: {  	s2 =	simm.s32 @!p0 $0x0;
	p0 =	por $0x0, $0x0;
	[sflag:s15] =	ssyncadd.s32 $0xFFFFC000  }
0x2f: {  	[spmem:s4] =	stream.linear.scatter [tilespmem:s9], [sflag:$0x5], $0x4000, $0x38;
	[tilespmem:$0x1E400] =	vst v63  }
0x30: {  	s13 =	simm.s32 @!p1 $0x8;
	s5 =	sadd.s32 @!p0 $0x200, s2;
	_ =	swait.ge [sflag:s16], $0x4000  }
0x31: {  	s7 =	simm.s32 @!p0 $0x80;
	s12 =	rddreg [dreg:$0x6];
	[sflag:s16] =	ssyncset.done $0x0  }
0x32: {  	s8 =	simm.s32 @!p0 $0xE400;
	[sflag:s16] =	ssyncadd.s32 $0xFFFFC000;
	s3 =	sadd.s32 $0x0, s12  }
0x33: {  	[hbm:s3], [sflag:s17] =	dma.local [spmem:s18], $0x800  }
0x34: {  	[tilespmem:s8], [sflag:$0x1] =	stream.indirect.gather @!p0 [hbm4b:s1+s7], $0x80, s5, s7, $0xb8;
	[tilespmem:$0x1E400] =	vst v63  }
0x35: {  	_ =	swait.ge @!p1 [sflag:s13], $0x800  }
0x36: {  	[sflag:s13] =	ssyncset.done @!p1 $0x0  }
0x37: {  	[sflag:s13] =	ssyncadd.s32 @!p1 $0xFFFFF800  }
0x38: {  	_ =	swait.ge [sflag:s19], $0x4000  }
0x39: {  	[sflag:s19] =	ssyncset.done $0x0  }
0x3a: {  	p0 =	por $0x0, $0x0;
	[sflag:s19] =	ssyncadd.s32 $0xFFFFC000  }
0x3b: {  	[spmem:s6] =	stream.linear.scatter [tilespmem:s11], [sflag:$0x6], $0x4000, $0x38;
	[tilespmem:$0x1E400] =	vst v63  }
0x3c: {  	s28 =	sshrl.u32 s6, $0x3;
	s5 =	sadd.s32 @!p0 $0x280, s2;
	_ =	swait.ge [sflag:s20], $0x4000  }
0x3d: {  	s7 =	simm.s32 @!p0 $0x80;
	s13 =	rddreg [dreg:$0x8];
	[sflag:s20] =	ssyncset.done $0x0  }
0x3e: {  	s8 =	simm.s32 @!p0 $0x12400;
	[sflag:s20] =	ssyncadd.s32 $0xFFFFC000;
	s3 =	sadd.s32 $0x0, s13  }
0x3f: {  	[hbm:s3], [sflag:s21] =	dma.local [spmem:s28], $0x800  }
0x40: {  	[tilespmem:s8], [sflag:$0x2] =	stream.indirect.gather @!p0 [hbm4b:s1+s7], $0x80, s5, s7, $0xb8;
	[tilespmem:$0x1E400] =	vst v63  }
0x41: {  	_ =	swait.ge [sflag:s22], $0x800  }
0x42: {  	[sflag:s22] =	ssyncset.done $0x0  }
0x43: {  	[sflag:s22] =	ssyncadd.s32 $0xFFFFF800  }
0x44: {  	_ =	swait.ge [sflag:s23], $0x4000  }
0x45: {  	[sflag:s23] =	ssyncset.done $0x0  }
0x46: {  	s29 =	simm.s32 $0x2000;
	p0 =	por $0x0, $0x0;
	[sflag:s23] =	ssyncadd.s32 $0xFFFFC000  }
0x47: {  	[spmem:s4] =	stream.linear.scatter [tilespmem:s10], [sflag:$0x5], $0x4000, $0x38;
	[tilespmem:$0x1E400] =	vst v63  }
0x48: {  	s30 =	simm.s32 $0x1;
	s2 =	sadd.s32 @!p0 $0x300, s2;
	_ =	swait.ge [sflag:s16], $0x4000  }
0x49: {  	s5 =	simm.s32 @!p0 $0x80;
	s31 =	rddreg [dreg:$0x7];
	[sflag:s16] =	ssyncset.done $0x0  }
0x4a: {  	s7 =	simm.s32 @!p0 $0x16400;
	[sflag:s16] =	ssyncadd.s32 $0xFFFFC000;
	s3 =	sadd.s32 $0x0, s31  }
0x4b: {  	[hbm:s3], [sflag:s17] =	dma.local [spmem:s18], $0x800  }
0x4c: {  	[tilespmem:s7], [sflag:$0x3] =	stream.indirect.gather @!p0 [hbm4b:s1+s5], $0x80, s2, s5, $0xb8;
	[tilespmem:$0x1E400] =	vst v63  }
0x4d: {  	p1 =	por $0x1, $0x1;
	s8 =	simm.s32 $0x200;
	_ =	swait.ge [sflag:s24], $0x800  }
0x4e: {  	s3 =	simm.s32 $0x4000;
	s2 =	sshll.u32 @p1 s26, $0x6;
	[sflag:s24] =	ssyncset.done $0x0  }
0x4f: {  	p0 =	por p1, p1;
	s5 =	simm.s32 $0x400;
	[sflag:s24] =	ssyncadd.s32 $0xFFFFF800  }
0x50: {  	s13 =	sor.u32 @p1 $0x1C08, s2;
	s2 =	simm.s32 $0x6;
	_ =	swait.ge [sflag:s25], $0x4000  }
.LBB2_2:
0x51: {  	p2 =	sne.s32 s3, $0x0  }
0x52: {  	[sflag:s25] =	ssyncset.done $0x0;
	s9 =	simm.s32 @p0 $0x6;
	s10 =	rddreg [dreg:$0x9]  }
0x53: {  	s11 =	sshrl.u32 @p0 s6, $0x3;
	s12 =	sadd.s32 @p0 $0x180, s8;
	[sflag:s25] =	ssyncadd.s32 $0xFFFFC000  }
0x54: {  	[spmem:s6] =	stream.linear.scatter [tilespmem:s10], [sflag:$0x6], $0x4000, $0x38;
	[tilespmem:$0x1E400] =	vst v63  }
0x55: {  	s31 =	sshll.u32 @p2 s26, $0x6;
	s26 =	simm.s32 @p0 $0x1A400;
	_ =	swait.ge @p0 [sflag:s9], $0x4000  }
0x56: {  	s10 =	simm.s32 @p0 $0x80;
	s0 =	rddreg [dreg:$0x5];
	[sflag:s9] =	ssyncset.done @p0 $0x0  }
0x57: {  	[sflag:s9] =	ssyncadd.s32 @p0 $0xFFFFC000;
	s0 =	sadd.s32 @p0 s29, s0;
	s9 =	simm.s32 @p0 $0x7  }
0x58: {  	[hbm:s0], [sflag:s13] =	dma.local @p0 [spmem:s11], $0x800  }
0x59: {  	[tilespmem:s26], [sflag:$0x4] =	stream.indirect.gather @p0 [hbm4b:s1+s10], $0x80, s12, s10, $0xb8;
	[tilespmem:$0x1E400] =	vst v63  }
0x5a: {  	p3 =	seq.s32 s29, $0x0;
	_ =	swait.ge @p0 [sflag:s9], $0x800  }
0x5b: {  	s31 =	sor.u32 @p2 $0x1C08, s31;
	s0 =	simm.s32 @!p0 $0x1A400;
	[sflag:s9] =	ssyncset.done @p0 $0x0  }
0x5c: {  	s10 =	simm.s32 @!p0 $0x180;
	[sflag:s9] =	ssyncadd.s32 @p0 $0xFFFFF800;
	s9 =	simm.s32 @!p0 $0x80  }
0x5d: {  	[tilespmem:s0], [sflag:$0x4] =	stream.indirect.gather @!p0 [hbm4b:s1+s9], $0x80, s10, s9, $0xb8;
	[tilespmem:$0x1E400] =	vst v63  }
0x5e: {  	s13 =	smov.u32 s31;
	s31 =	smov.u32 s8;
	_ =	swait.ge [sflag:s15], $0x4000  }
0x5f: {  	s31 =	simm.s32 @!p0 $0x0;
	s12 =	sadd.s32 $0xFFFFFFFF, s2;
	[sflag:s15] =	ssyncset.done $0x0  }
0x60: {  	p4 =	sgt.u32 s12, $0xC4;
	s9 =	simm.s32 $0xE400;
	[sflag:s15] =	ssyncadd.s32 $0xFFFFC000  }
0x61: {  	[spmem:s4] =	stream.linear.scatter [tilespmem:s9], [sflag:$0x5], $0x4000, $0x38;
	[tilespmem:$0x1E400] =	vst v63  }
0x62: {  	s12 =	simm.s32 @!p3 $0x8;
	s11 =	simm.s32 @!p4 $0xE400;
	_ =	swait.ge [sflag:s16], $0x4000  }
0x63: {  	s10 =	simm.s32 @!p4 $0x80;
	s0 =	rddreg [dreg:$0x6];
	[sflag:s16] =	ssyncset.done $0x0  }
0x64: {  	s9 =	sadd.s32 @!p4 $0x200, s31;
	[sflag:s16] =	ssyncadd.s32 $0xFFFFC000;
	s0 =	sadd.s32 s29, s0  }
0x65: {  	[hbm:s0], [sflag:s17] =	dma.local [spmem:s18], $0x800  }
0x66: {  	[tilespmem:s11], [sflag:$0x1] =	stream.indirect.gather @!p4 [hbm4b:s1+s10], $0x80, s9, s10, $0xb8;
	[tilespmem:$0x1E400] =	vst v63  }
0x67: {  	_ =	swait.ge @!p3 [sflag:s12], $0x800  }
0x68: {  	[sflag:s12] =	ssyncset.done @!p3 $0x0  }
0x69: {  	[sflag:s12] =	ssyncadd.s32 @!p3 $0xFFFFF800  }
0x6a: {  	_ =	swait.ge [sflag:s19], $0x4000  }
0x6b: {  	p0 =	por p2, p2;
	[sflag:s19] =	ssyncset.done $0x0  }
0x6c: {  	p2 =	sgt.u32 s2, $0xC4;
	s10 =	simm.s32 $0x12400;
	[sflag:s19] =	ssyncadd.s32 $0xFFFFC000  }
0x6d: {  	[spmem:s6] =	stream.linear.scatter [tilespmem:s10], [sflag:$0x6], $0x4000, $0x38;
	[tilespmem:$0x1E400] =	vst v63  }
0x6e: {  	s9 =	sadd.s32 @!p2 $0x280, s31;
	_ =	swait.ge [sflag:s20], $0x4000  }
0x6f: {  	s10 =	simm.s32 @!p2 $0x80;
	s11 =	rddreg [dreg:$0x8];
	[sflag:s20] =	ssyncset.done $0x0  }
0x70: {  	[sflag:s20] =	ssyncadd.s32 $0xFFFFC000;
	s0 =	sadd.s32 s29, s11;
	s11 =	simm.s32 @!p2 $0x12400  }
0x71: {  	[hbm:s0], [sflag:s21] =	dma.local [spmem:s28], $0x800  }
0x72: {  	[tilespmem:s11], [sflag:$0x2] =	stream.indirect.gather @!p2 [hbm4b:s1+s10], $0x80, s9, s10, $0xb8;
	[tilespmem:$0x1E400] =	vst v63  }
0x73: {  	_ =	swait.ge [sflag:s22], $0x800  }
0x74: {  	[sflag:s22] =	ssyncset.done $0x0  }
0x75: {  	[sflag:s22] =	ssyncadd.s32 $0xFFFFF800  }
0x76: {  	_ =	swait.ge [sflag:s23], $0x4000  }
0x77: {  	s7 =	smov.u32 s3;
	[sflag:s23] =	ssyncset.done $0x0  }
0x78: {  	s3 =	sadd.s32 $0x2000, s3;
	p2 =	sgt.u32 s30, $0x30;
	[sflag:s23] =	ssyncadd.s32 $0xFFFFC000  }
0x79: {  	[spmem:s4] =	stream.linear.scatter [tilespmem:s14], [sflag:$0x5], $0x4000, $0x38;
	[tilespmem:$0x1E400] =	vst v63  }
0x7a: {  	p1 =	sne.s32 s3, $0x64000;
	s9 =	sadd.s32 @!p2 $0x300, s31;
	_ =	swait.ge [sflag:s16], $0x4000  }
0x7b: {  	s10 =	simm.s32 @!p2 $0x80;
	[sflag:s16] =	ssyncset.done $0x0;
	s12 =	rddreg [dreg:$0x7]  }
0x7c: {  	s11 =	simm.s32 @!p2 $0x16400;
	[sflag:s16] =	ssyncadd.s32 $0xFFFFC000;
	s0 =	sadd.s32 s29, s12  }
0x7d: {  	[hbm:s0], [sflag:s17] =	dma.local [spmem:s18], $0x800  }
0x7e: {  	[tilespmem:s11], [sflag:$0x3] =	stream.indirect.gather @!p2 [hbm4b:s1+s10], $0x80, s9, s10, $0xb8;
	[tilespmem:$0x1E400] =	vst v63  }
.Ltmp0:
0x7f: {  	_ = 	snop;
	(pc) =	sbr.rel @p1 .LBB2_2-.Ltmp0, $4  }
0x80: {  	_ =	swait.ge [sflag:s24], $0x800  }
0x81: {  	s8 =	smov.u32 s5;
	s5 =	sadd.s32 $0x200, s5;
	[sflag:s24] =	ssyncset.done $0x0  }
0x82: {  	s26 =	stileid.u32;
	s2 =	sadd.s32 $0x4, s2;
	[sflag:s24] =	ssyncadd.s32 $0xFFFFF800  }
0x83: {  	s30 =	sadd.s32 $0x1, s30;
	s29 =	smov.u32 s7;
	_ =	swait.ge [sflag:s25], $0x4000  }
0x84: {  	[sflag:s25] =	ssyncset.done $0x0  }
0x85: {  	s0 =	rddreg [dreg:$0x9];
	s3 =	simm.s32 @p0 $0x6;
	[sflag:s25] =	ssyncadd.s32 $0xFFFFC000  }
0x86: {  	[spmem:s6] =	stream.linear.scatter [tilespmem:s0], [sflag:$0x6], $0x4000, $0x38;
	[tilespmem:$0x1E400] =	vst v63  }
0x87: {  	_ =	swait.ge @p0 [sflag:s3], $0x4000  }
0x88: {  	s0 =	rddreg [dreg:$0x5];
	[sflag:s3] =	ssyncset.done @p0 $0x0  }
0x89: {  	[sflag:s3] =	ssyncadd.s32 @p0 $0xFFFFC000;
	s3 =	sshrl.u32 @p0 s6, $0x3;
	s0 =	sadd.s32 @p0 s29, s0  }
0x8a: {  	[hbm:s0], [sflag:s13] =	dma.local @p0 [spmem:s3], $0x800  }
0x8b: {  	s5 =	sadd.s32 @p0 $0x180, s8;
	s0 =	simm.s32 @p0 $0x80;
	s3 =	simm.s32 @p0 $0x1A400  }
0x8c: {  	[tilespmem:s3], [sflag:$0x4] =	stream.indirect.gather @p0 [hbm4b:s1+s0], $0x80, s5, s0, $0xb8;
	[tilespmem:$0x1E400] =	vst v63  }
0x8d: {  	s0 =	simm.s32 @p0 $0x7  }
0x8e: {  	_ =	swait.ge @p0 [sflag:s0], $0x800  }
0x8f: {  	s3 =	simm.s32 @!p0 $0x1A400;
	[sflag:s0] =	ssyncset.done @p0 $0x0  }
0x90: {  	s5 =	simm.s32 @!p0 $0x180;
	[sflag:s0] =	ssyncadd.s32 @p0 $0xFFFFF800;
	s0 =	simm.s32 @!p0 $0x80  }
0x91: {  	[tilespmem:s3], [sflag:$0x4] =	stream.indirect.gather @!p0 [hbm4b:s1+s0], $0x80, s5, s0, $0xb8;
	[tilespmem:$0x1E400] =	vst v63  }
0x92: {  	_ =	swait.ge [sflag:s15], $0x4000  }
0x93: {  	[sflag:s15] =	ssyncset.done $0x0  }
0x94: {  	s5 =	simm.s32 $0xE400;
	[sflag:s15] =	ssyncadd.s32 $0xFFFFC000  }
0x95: {  	[spmem:s4] =	stream.linear.scatter [tilespmem:s5], [sflag:$0x5], $0x4000, $0x38;
	[tilespmem:$0x1E400] =	vst v63  }
0x96: {  	s8 =	simm.s32 @!p0 $0x0;
	_ =	swait.ge [sflag:s16], $0x4000  }
0x97: {  	s9 =	sadd.s32 $0xFFFFFFFF, s2;
	s7 =	rddreg [dreg:$0x6];
	[sflag:s16] =	ssyncset.done $0x0  }
0x98: {  	p0 =	sgt.u32 s9, $0xC4;
	[sflag:s16] =	ssyncadd.s32 $0xFFFFC000;
	s0 =	sadd.s32 s29, s7  }
0x99: {  	[hbm:s0], [sflag:s17] =	dma.local [spmem:s18], $0x800  }
0x9a: {  	s3 =	simm.s32 @!p0 $0x80;
	s5 =	simm.s32 @!p0 $0xE400;
	s0 =	sadd.s32 @!p0 $0x200, s8  }
0x9b: {  	[tilespmem:s5], [sflag:$0x1] =	stream.indirect.gather @!p0 [hbm4b:s1+s3], $0x80, s0, s3, $0xb8;
	[tilespmem:$0x1E400] =	vst v63  }
0x9c: {  	p0 =	seq.s32 s29, $0x0  }
0x9d: {  	s0 =	simm.s32 @!p0 $0x8  }
0x9e: {  	_ =	swait.ge @!p0 [sflag:s0], $0x800  }
0x9f: {  	[sflag:s0] =	ssyncset.done @!p0 $0x0  }
0xa0: {  	[sflag:s0] =	ssyncadd.s32 @!p0 $0xFFFFF800  }
0xa1: {  	_ =	swait.ge [sflag:s19], $0x4000  }
0xa2: {  	[sflag:s19] =	ssyncset.done $0x0  }
0xa3: {  	s10 =	simm.s32 $0x12400;
	[sflag:s19] =	ssyncadd.s32 $0xFFFFC000  }
0xa4: {  	[spmem:s6] =	stream.linear.scatter [tilespmem:s10], [sflag:$0x6], $0x4000, $0x38;
	[tilespmem:$0x1E400] =	vst v63  }
0xa5: {  	_ =	swait.ge [sflag:s20], $0x4000  }
0xa6: {  	s11 =	rddreg [dreg:$0x8];
	[sflag:s20] =	ssyncset.done $0x0  }
0xa7: {  	p0 =	sgt.u32 s2, $0xC4;
	[sflag:s20] =	ssyncadd.s32 $0xFFFFC000;
	s0 =	sadd.s32 s29, s11  }
0xa8: {  	[hbm:s0], [sflag:s21] =	dma.local [spmem:s28], $0x800  }
0xa9: {  	s2 =	simm.s32 @!p0 $0x80;
	s3 =	simm.s32 @!p0 $0x12400;
	s0 =	sadd.s32 @!p0 $0x280, s8  }
0xaa: {  	[tilespmem:s3], [sflag:$0x2] =	stream.indirect.gather @!p0 [hbm4b:s1+s2], $0x80, s0, s2, $0xb8;
	[tilespmem:$0x1E400] =	vst v63  }
0xab: {  	_ =	swait.ge [sflag:s22], $0x800  }
0xac: {  	[sflag:s22] =	ssyncset.done $0x0  }
0xad: {  	[sflag:s22] =	ssyncadd.s32 $0xFFFFF800  }
0xae: {  	_ =	swait.ge [sflag:s23], $0x4000  }
0xaf: {  	[sflag:s23] =	ssyncset.done $0x0  }
0xb0: {  	[sflag:s23] =	ssyncadd.s32 $0xFFFFC000  }
0xb1: {  	[spmem:s4] =	stream.linear.scatter [tilespmem:s14], [sflag:$0x5], $0x4000, $0x38;
	[tilespmem:$0x1E400] =	vst v63  }
0xb2: {  	_ =	swait.ge [sflag:s16], $0x4000  }
0xb3: {  	s12 =	rddreg [dreg:$0x7];
	[sflag:s16] =	ssyncset.done $0x0  }
0xb4: {  	p0 =	sgt.u32 s30, $0x30;
	[sflag:s16] =	ssyncadd.s32 $0xFFFFC000;
	s0 =	sadd.s32 s29, s12  }
0xb5: {  	[hbm:s0], [sflag:s17] =	dma.local [spmem:s18], $0x800  }
0xb6: {  	s2 =	simm.s32 @!p0 $0x80;
	s3 =	simm.s32 @!p0 $0x16400;
	s0 =	sadd.s32 @!p0 $0x300, s8  }
0xb7: {  	[tilespmem:s3], [sflag:$0x3] =	stream.indirect.gather @!p0 [hbm4b:s1+s2], $0x80, s0, s2, $0xb8;
	[tilespmem:$0x1E400] =	vst v63  }
0xb8: {  	_ =	swait.ge [sflag:s24], $0x800  }
0xb9: {  	[sflag:s24] =	ssyncset.done $0x0  }
0xba: {  	[sflag:s24] =	ssyncadd.s32 $0xFFFFF800  }
0xbb: {  	_ =	swait.ge [sflag:s25], $0x4000  }
0xbc: {  	[sflag:s25] =	ssyncset.done $0x0  }
0xbd: {  	s13 =	rddreg [dreg:$0x9];
	[sflag:s25] =	ssyncadd.s32 $0xFFFFC000  }
0xbe: {  	[spmem:s6] =	stream.linear.scatter [tilespmem:s13], [sflag:$0x6], $0x4000, $0x38;
	[tilespmem:$0x1E400] =	vst v63  }
0xbf: {  	_ =	swait.ge [sflag:s20], $0x4000  }
0xc0: {  	[sflag:s20] =	ssyncset.done $0x0  }
0xc1: {  	s29 =	rddreg [dreg:$0xb];
	[sflag:s20] =	ssyncadd.s32 $0xFFFFC000  }
0xc2: {  	[hbm:s29], [sflag:s21] =	dma.local [spmem:s28], $0x800  }
0xc3: {  	_ =	swait.ge [sflag:s22], $0x800  }
0xc4: {  	[sflag:s22] =	ssyncset.done $0x0  }
0xc5: {  	[sflag:s22] =	ssyncadd.s32 $0xFFFFF800  }
0xc6: {  	_ =	swait.ge [sflag:s24], $0x800  }
0xc7: {  	s30 =	rddreg [dreg:$0xd]  }
0xc8: {  	s31 =	rddreg [dreg:$0xc];
	s2 =	sadd.s32 $0x1, s30  }
0xc9: {  	p0 =	sne.s32 s2, s31  }
.Ltmp1:
0xca: {  	_ = 	snop;
	(pc) =	sbr.rel @p0 .LBB2_1-.Ltmp1, $3  }
0xcb: {  	_ =	sdelay $0x1  }
0xcc: {  	[sflag:s24] =	ssyncset.done $0x0  }
0xcd: {  	[sflag:s24] =	ssyncadd.s32 $0xFFFFF800  }
0xce: {  	_ =	sfence.sel $0x180000  }
0xcf: {  	[bflag:$0x0] =	sbarrier.arrive $0xFFFF  }
0xd0: {  	_ =	strace $0x90000047  }
0xd1: {  	[bflag:$0x2] =	sbarrier.arrive $0xFFFF  }
0xd2: {  	p0 =	sne.s32 s26, $0x0;
	s0 =	rddreg [dreg:$0x4]  }
0xd3: {  	s0 =	sadd.s32 @!p0 $0x100000, s0  }
0xd4: {  	[sflag:s0] =	ssyncadd.tile.s32 @!p0 $0x1;
	_ =	shalt  }
.Lfunc_end2:
_tile_overlayer_lowered:
.L_overlay_start_2:
0xd5: {  	(tag) =	ssettag $0x2  }
0xd6: {  	s0 =	rddreg [dreg:$0x0];
	s2 =	stileid.u32  }
0xd7: {  	s1 =	rddreg [dreg:$0x1];
	p0 =	sne.s32 s2, $0x0  }
0xd8: {  	s3 =	rddreg [dreg:$0x2];
	[bflag:$0x3] =	sbarrier.arrive $0xFFFF;
	s2 =	simm.s32 @!p0 $0x1C09  }
0xd9: {  	[timem:s3], [sflag:s2] =	dma.local @!p0 [hbm:s0], s1  }
0xda: {  	s0 =	simm.s32 @!p0 $0x9  }
0xdb: {  	_ =	swait.ge @!p0 [sflag:s0], s1  }
0xdc: {  	s1 =	ssub.s32 @!p0 $0x0, s1;
	[sflag:s0] =	ssyncset.done @!p0 $0x0  }
0xdd: {  	[sflag:s0] =	ssyncadd.s32 @!p0 s1  }
0xde: {  	[bflag:$0x3] =	sbarrier.arrive $0xFFFF  }
0xdf: {  	_ =	shalt  }

</sc_bundles>
